<compile_context>
chip_gen: v7x
topology: tpu7x:2x2x1
jax: 0.10.2.dev20260603
libtpu: 0.0.44.dev20260713+nightly
codegen_flags: <defaults>
</compile_context>

<pallas_src>
import functools
import jax
import jax.numpy as jnp
from jax import lax
from jax.experimental import pallas as pl
from jax.experimental.pallas import tpu as pltpu
from jax.experimental.pallas import tpu_sc as plsc

N = 10000
E = 320000
DN = 128
DE = 16
HID = 256
DO = 128
HALF = 128
NSC = 2
NTILES = 16
K = 64
GCHUNKS = E // K
NMAIN = 312
NPAIR = NMAIN // 2
NLEFT = GCHUNKS - NMAIN * NTILES
RPT = 624
NTAIL = N - NTILES * RPT



def _sc_body(xah, xbh, th, row, col, zrows, zdeg, out_h, out_deg,
             rcol0, grow0, gcol0, rcol1, grow1, gcol1,
             abuf0, bbuf0, tbuf0, abuf1, bbuf1, tbuf1, onesv,
             acc, degacc,
             semI0, semI1, semA0, semB0, semT0, semA1, semB1, semT1):
    c = lax.axis_index("c")
    s = lax.axis_index("s")

    pltpu.sync_copy(zrows, acc.at[pl.ds(s * RPT, RPT)])

    @pl.when(s == NTILES - 1)
    def _():
        pltpu.sync_copy(zrows.at[pl.ds(0, NTAIL)],
                        acc.at[pl.ds(NTILES * RPT, NTAIL)])

    @pl.when(s == 0)
    def _():
        pltpu.sync_copy(zdeg, degacc)

    def initones(i, _):
        onesv[pl.ds(i * 16, 16)] = jnp.full((16,), 1.0, jnp.float32)
        return 0
    lax.fori_loop(0, K // 16, initones, 0)

    plsc.subcore_barrier()

    tbase = c * E
    noff = c * N

    def idx_start(g, grow, rcol, semI):
        e0 = g * K
        pltpu.async_copy(row.at[pl.ds(e0, K)], grow, semI)
        pltpu.async_copy(col.at[pl.ds(e0, K)], rcol, semI)

    def idx_wait(grow, rcol, semI):
        pltpu.make_async_copy(row.at[pl.ds(0, K)], grow, semI).wait()
        pltpu.make_async_copy(col.at[pl.ds(0, K)], rcol, semI).wait()

    def adjust(grow, rcol, gcol):
        def adj(i, _):
            sl = pl.ds(i * 16, 16)
            grow[sl] = grow[sl] + noff
            gcol[sl] = rcol[sl] + noff
            return 0
        lax.fori_loop(0, K // 16, adj, 0)

    def gat_start(g, grow, gcol, ab, bb, tb, semA, semB, semT):
        e0 = g * K
        pltpu.async_copy(xah.at[grow], ab, semA)
        pltpu.async_copy(xbh.at[gcol], bb, semB)
        pltpu.async_copy(th.at[pl.ds(tbase + e0, K)], tb, semT)

    def gat_wait(grow, gcol, ab, bb, tb, semA, semB, semT):
        pltpu.make_async_copy(xah.at[grow], ab, semA).wait()
        pltpu.make_async_copy(xbh.at[gcol], bb, semB).wait()
        pltpu.make_async_copy(th.at[pl.ds(tbase, K)], tb, semT).wait()

    def comp(ab, bb, tb):
        def body(r, _):
            for f8 in range(HALF // 16):
                sl = pl.ds(f8 * 16, 16)
                tb[r, sl] = jnp.maximum(ab[r, sl] + bb[r, sl] + tb[r, sl],
                                        0.0)
            return 0
        lax.fori_loop(0, K, body, 0)

    def scat(tb, rcol):
        pltpu.sync_copy(tb, acc.at[rcol], add=True)

        @pl.when(c == 0)
        def _():
            pltpu.sync_copy(onesv, degacc.at[rcol], add=True)

    p0 = (rcol0, grow0, gcol0, abuf0, bbuf0, tbuf0, semI0, semA0, semB0, semT0)
    p1 = (rcol1, grow1, gcol1, abuf1, bbuf1, tbuf1, semI1, semA1, semB1, semT1)

    def half(t, mine, other, joff):
        (rc, gr, gc, ab, bb, tb, sI, sA, sB, sT) = mine
        (orc, ogr, ogc, oab, obb, otb, osI, osA, osB, osT) = other
        j = 2 * t + joff
        g_next = (j + 1) * NTILES + s
        g_next2 = (j + 2) * NTILES + s

        @pl.when(j + 1 < NMAIN)
        def _():
            idx_wait(ogr, orc, osI)
            adjust(ogr, orc, ogc)
            gat_start(g_next, ogr, ogc, oab, obb, otb, osA, osB, osT)

        gat_wait(gr, gc, ab, bb, tb, sA, sB, sT)
        comp(ab, bb, tb)
        scat(tb, rc)

        @pl.when(j + 2 < NMAIN)
        def _():
            idx_start(g_next2, gr, rc, sI)

    g0 = s
    pltpu.sync_copy(row.at[pl.ds(g0 * K, K)], grow0)
    pltpu.sync_copy(col.at[pl.ds(g0 * K, K)], rcol0)
    adjust(grow0, rcol0, gcol0)
    gat_start(g0, grow0, gcol0, abuf0, bbuf0, tbuf0, semA0, semB0, semT0)
    idx_start(1 * NTILES + s, grow1, rcol1, semI1)

    def pair(t, _):
        half(t, p0, p1, 0)
        half(t, p1, p0, 1)
        return 0
    lax.fori_loop(0, NPAIR, pair, 0)

    @pl.when(s < NLEFT)
    def _():
        g = NMAIN * NTILES + s
        pltpu.sync_copy(row.at[pl.ds(g * K, K)], grow0)
        pltpu.sync_copy(col.at[pl.ds(g * K, K)], rcol0)
        adjust(grow0, rcol0, gcol0)
        gat_start(g, grow0, gcol0, abuf0, bbuf0, tbuf0, semA0, semB0, semT0)
        gat_wait(grow0, gcol0, abuf0, bbuf0, tbuf0, semA0, semB0, semT0)
        comp(abuf0, bbuf0, tbuf0)
        scat(tbuf0, rcol0)

    plsc.subcore_barrier()

    pltpu.sync_copy(acc.at[pl.ds(s * RPT, RPT)],
                    out_h.at[pl.ds(c * N + s * RPT, RPT)])

    @pl.when(s == NTILES - 1)
    def _():
        pltpu.sync_copy(acc.at[pl.ds(NTILES * RPT, NTAIL)],
                        out_h.at[pl.ds(c * N + NTILES * RPT, NTAIL)])

    @pl.when((s == 0) & (c == 0))
    def _():
        pltpu.sync_copy(degacc, out_deg)


_sc_agg = functools.partial(
    pl.kernel,
    out_type=(jax.ShapeDtypeStruct((NSC * N, HALF), jnp.float32),
              jax.ShapeDtypeStruct((N,), jnp.float32)),
    mesh=plsc.VectorSubcoreMesh(core_axis_name="c", subcore_axis_name="s"),
    scratch_types=(
        [pltpu.VMEM((K,), jnp.int32)] * 6
        + [pltpu.VMEM((K, HALF), jnp.float32)] * 6
        + [pltpu.VMEM((K,), jnp.float32)]
        + [pltpu.VMEM_SHARED((N, HALF), jnp.float32),
           pltpu.VMEM_SHARED((N,), jnp.float32)]
        + [pltpu.SemaphoreType.DMA] * 8
    ),
)(_sc_body)



def _node_mm_body(x_ref, wa_ref, wb_ref, oa_ref, ob_ref):
    x = x_ref[...]
    oa_ref[...] = jnp.dot(x, wa_ref[...],
                          preferred_element_type=jnp.float32)[None]
    ob_ref[...] = jnp.dot(x, wb_ref[...],
                          preferred_element_type=jnp.float32)[None]


def _node_mm(x, wa, wb):
    nb = 1000
    return pl.pallas_call(
        _node_mm_body,
        grid=(NSC, N // nb),
        in_specs=[
            pl.BlockSpec((nb, DN), lambda h, i: (i, 0)),
            pl.BlockSpec((DN, HALF), lambda h, i: (0, h)),
            pl.BlockSpec((DN, HALF), lambda h, i: (0, h)),
        ],
        out_specs=[
            pl.BlockSpec((1, nb, HALF), lambda h, i: (h, i, 0)),
            pl.BlockSpec((1, nb, HALF), lambda h, i: (h, i, 0)),
        ],
        out_shape=[
            jax.ShapeDtypeStruct((NSC, N, HALF), jnp.float32),
            jax.ShapeDtypeStruct((NSC, N, HALF), jnp.float32),
        ],
    )(x, wa, wb)


def _edge_mm_body(e_ref, we_ref, b_ref, o_ref):
    o_ref[...] = (jnp.dot(e_ref[...], we_ref[...],
                          preferred_element_type=jnp.float32)[None]
                  + b_ref[...])


def _edge_mm(e, we, b1h):
    eb = 4000
    return pl.pallas_call(
        _edge_mm_body,
        grid=(NSC, E // eb),
        in_specs=[
            pl.BlockSpec((eb, DE), lambda h, i: (i, 0)),
            pl.BlockSpec((DE, HALF), lambda h, i: (0, h)),
            pl.BlockSpec((1, 1, HALF), lambda h, i: (h, 0, 0)),
        ],
        out_specs=pl.BlockSpec((1, eb, HALF), lambda h, i: (h, i, 0)),
        out_shape=jax.ShapeDtypeStruct((NSC, E, HALF), jnp.float32),
    )(e, we, b1h)


def _wt_body(w2_ref, u1b_ref, b2_ref, v_ref, c_ref):
    u1b = u1b_ref[...]
    v_ref[...] = jnp.dot(w2_ref[...], u1b, preferred_element_type=jnp.float32)
    c_ref[...] = jnp.dot(b2_ref[...], u1b, preferred_element_type=jnp.float32)


def _wt_mm(w2, u1b, b2):
    return pl.pallas_call(
        _wt_body,
        out_shape=[
            jax.ShapeDtypeStruct((HID, HID), jnp.float32),
            jax.ShapeDtypeStruct((1, HID), jnp.float32),
        ],
    )(w2, u1b, b2)


def _post_body(x_ref, h0_ref, h1_ref, d_ref, u1a_ref, v0_ref, v1_ref,
               cv_ref, ub1_ref, u2_ref, ub2_ref, o_ref):
    p = (jnp.dot(x_ref[...], u1a_ref[...], preferred_element_type=jnp.float32)
         + jnp.dot(h0_ref[...], v0_ref[...], preferred_element_type=jnp.float32)
         + jnp.dot(h1_ref[...], v1_ref[...], preferred_element_type=jnp.float32)
         + d_ref[...] * cv_ref[...]
         + ub1_ref[...])
    u = jnp.maximum(p, 0.0)
    o_ref[...] = jnp.dot(u, u2_ref[...],
                         preferred_element_type=jnp.float32) + ub2_ref[...]


def _post_mm(x, hs, deg, u1a, v0, v1, cv, ub1, u2, ub2):
    nb = 1000
    return pl.pallas_call(
        _post_body,
        grid=(N // nb,),
        in_specs=[
            pl.BlockSpec((nb, DN), lambda i: (i, 0)),
            pl.BlockSpec((nb, HALF), lambda i: (i, 0)),
            pl.BlockSpec((nb, HALF), lambda i: (N // nb + i, 0)),
            pl.BlockSpec((nb, 1), lambda i: (i, 0)),
            pl.BlockSpec((DN, HID), lambda i: (0, 0)),
            pl.BlockSpec((HALF, HID), lambda i: (0, 0)),
            pl.BlockSpec((HALF, HID), lambda i: (0, 0)),
            pl.BlockSpec((1, HID), lambda i: (0, 0)),
            pl.BlockSpec((1, HID), lambda i: (0, 0)),
            pl.BlockSpec((HID, DO), lambda i: (0, 0)),
            pl.BlockSpec((1, DO), lambda i: (0, 0)),
        ],
        out_specs=pl.BlockSpec((nb, DO), lambda i: (i, 0)),
        out_shape=jax.ShapeDtypeStruct((N, DO), jnp.float32),
    )(x, hs, hs, deg, u1a, v0, v1, cv, ub1, u2, ub2)



def kernel(node_features, edge_features, edge_index, W1, b1, W2, b2,
           U1, ub1, U2, ub2):
    row = edge_index[0]
    col = edge_index[1]
    w1a = W1[:DN]
    w1b = W1[DN:2 * DN]
    w1e = W1[2 * DN:]

    xa, xb = _node_mm(node_features, w1a, w1b)
    th = _edge_mm(edge_features, w1e, b1.reshape(NSC, 1, HALF))
    v, cv = _wt_mm(W2, U1[DN:], b2.reshape(1, HID))

    zrows = jnp.zeros((RPT, HALF), jnp.float32)
    zdeg = jnp.zeros((N,), jnp.float32)

    hs, degf = _sc_agg(xa.reshape(NSC * N, HALF), xb.reshape(NSC * N, HALF),
                       th.reshape(NSC * E, HALF), row, col, zrows, zdeg)

    return _post_mm(node_features, hs, degf.reshape(N, 1),
                    U1[:DN], v[:HALF], v[HALF:], cv, ub1.reshape(1, HID),
                    U2, ub2.reshape(1, DO))

# --- scband reference (transcript-rebuilt; emitter-appended) ---
"""Pipeline reference for scband-message-passing-layer-47708496724383 (READ-ONLY COPY).

The authoritative reference and input builder live on the scoring server;
editing this copy changes nothing except your own understanding.
"""

import jax, jax.numpy as jnp
import numpy as np

N_NODES = 10000
N_EDGES = 320000
D_NODE = 128
D_EDGE = 16
H = 256
D_OUT = 128


def setup_inputs(seed: int = 0) -> dict:
    key = jax.random.key(seed)
    ks = jax.random.split(key, 12)
    node_features = jax.random.normal(ks[0], (N_NODES, D_NODE), dtype=jnp.float32)
    edge_features = jax.random.normal(ks[1], (N_EDGES, D_EDGE), dtype=jnp.float32)
    edge_index = jax.random.randint(ks[2], (2, N_EDGES), 0, N_NODES, dtype=jnp.int64 if jax.config.jax_enable_x64 else jnp.int32).astype(jnp.int32)
    # message_net: Linear(2*D_NODE+D_EDGE -> H), ReLU, Linear(H -> H)
    d_in_msg = 2 * D_NODE + D_EDGE
    s1 = 1.0 / np.sqrt(d_in_msg)
    W1 = jax.random.uniform(ks[3], (d_in_msg, H), minval=-s1, maxval=s1, dtype=jnp.float32)
    b1 = jax.random.uniform(ks[4], (H,), minval=-s1, maxval=s1, dtype=jnp.float32)
    s2 = 1.0 / np.sqrt(H)
    W2 = jax.random.uniform(ks[5], (H, H), minval=-s2, maxval=s2, dtype=jnp.float32)
    b2 = jax.random.uniform(ks[6], (H,), minval=-s2, maxval=s2, dtype=jnp.float32)
    # update_net: Linear(D_NODE+H -> H), ReLU, Linear(H -> D_OUT)
    d_in_upd = D_NODE + H
    s3 = 1.0 / np.sqrt(d_in_upd)
    U1 = jax.random.uniform(ks[7], (d_in_upd, H), minval=-s3, maxval=s3, dtype=jnp.float32)
    ub1 = jax.random.uniform(ks[8], (H,), minval=-s3, maxval=s3, dtype=jnp.float32)
    s4 = 1.0 / np.sqrt(H)
    U2 = jax.random.uniform(ks[9], (H, D_OUT), minval=-s4, maxval=s4, dtype=jnp.float32)
    ub2 = jax.random.uniform(ks[10], (D_OUT,), minval=-s4, maxval=s4, dtype=jnp.float32)
    return {
        "node_features": node_features,
        "edge_features": edge_features,
        "edge_index": edge_index,
        "W1": W1, "b1": b1, "W2": W2, "b2": b2,
        "U1": U1, "ub1": ub1, "U2": U2, "ub2": ub2,
    }


def reference(node_features, edge_features, edge_index, W1, b1, W2, b2, U1, ub1, U2, ub2):
    num_nodes = node_features.shape[0]
    row = edge_index[0]
    col = edge_index[1]
    # message computation per edge
    message_input = jnp.concatenate([
        jnp.take(node_features, row, axis=0),
        jnp.take(node_features, col, axis=0),
        edge_features,
    ], axis=1)
    h = jax.nn.relu(message_input @ W1 + b1)
    messages = h @ W2 + b2
    # scatter-add aggregation onto destination nodes (index_add_ on col)
    aggregated = jnp.zeros((num_nodes, H), dtype=node_features.dtype).at[col].add(messages)
    # node update
    update_input = jnp.concatenate([node_features, aggregated], axis=1)
    u = jax.nn.relu(update_input @ U1 + ub1)
    updated = u @ U2 + ub2
    return updated

if __name__ == "__main__":
    import jax
    _d = setup_inputs()
    print(jax.jit(kernel)(*tuple(_d.values())))

</pallas_src>

<mosaic_0001>
#map = affine_map<(d0, d1) -> (0, 0)>
#map1 = affine_map<(d0, d1) -> (0)>
module attributes {stable_mosaic.version = 14 : i64} {
  func.func @_sc_body(%arg0: i32, %arg1: i32, %arg2: memref<20000x128xf32, #tpu.memory_space<hbm>>, %arg3: memref<20000x128xf32, #tpu.memory_space<hbm>>, %arg4: memref<640000x128xf32, #tpu.memory_space<hbm>>, %arg5: memref<320000xi32, #tpu.memory_space<hbm>>, %arg6: memref<320000xi32, #tpu.memory_space<hbm>>, %arg7: memref<624x128xf32, #tpu.memory_space<hbm>>, %arg8: memref<10000xf32, #tpu.memory_space<hbm>>, %arg9: memref<20000x128xf32, #tpu.memory_space<hbm>>, %arg10: memref<10000xf32, #tpu.memory_space<hbm>>, %arg11: memref<64xi32, #tpu.memory_space<vmem>>, %arg12: memref<64xi32, #tpu.memory_space<vmem>>, %arg13: memref<64xi32, #tpu.memory_space<vmem>>, %arg14: memref<64xi32, #tpu.memory_space<vmem>>, %arg15: memref<64xi32, #tpu.memory_space<vmem>>, %arg16: memref<64xi32, #tpu.memory_space<vmem>>, %arg17: memref<64x128xf32, #tpu.memory_space<vmem>>, %arg18: memref<64x128xf32, #tpu.memory_space<vmem>>, %arg19: memref<64x128xf32, #tpu.memory_space<vmem>>, %arg20: memref<64x128xf32, #tpu.memory_space<vmem>>, %arg21: memref<64x128xf32, #tpu.memory_space<vmem>>, %arg22: memref<64x128xf32, #tpu.memory_space<vmem>>, %arg23: memref<64xf32, #tpu.memory_space<vmem>>, %arg24: memref<10000x128xf32, #tpu.memory_space<vmem_shared>>, %arg25: memref<10000xf32, #tpu.memory_space<vmem_shared>>, %arg26: memref<!tpu.dma_semaphore, #tpu.memory_space<semaphore_mem>>, %arg27: memref<!tpu.dma_semaphore, #tpu.memory_space<semaphore_mem>>, %arg28: memref<!tpu.dma_semaphore, #tpu.memory_space<semaphore_mem>>, %arg29: memref<!tpu.dma_semaphore, #tpu.memory_space<semaphore_mem>>, %arg30: memref<!tpu.dma_semaphore, #tpu.memory_space<semaphore_mem>>, %arg31: memref<!tpu.dma_semaphore, #tpu.memory_space<semaphore_mem>>, %arg32: memref<!tpu.dma_semaphore, #tpu.memory_space<semaphore_mem>>, %arg33: memref<!tpu.dma_semaphore, #tpu.memory_space<semaphore_mem>>) attributes {dimension_semantics = [#tpu.dimension_semantics<core_parallel>, #tpu.dimension_semantics<subcore_parallel>], iteration_bounds = array<i64: 2, 16>, scalar_prefetch = 0 : i64, scratch_operands = 23 : i64, tpu.core_type = #tpu.core_type<sc_vector_subcore>, window_params = [{transform_indices = #map}, {transform_indices = #map}, {transform_indices = #map}, {transform_indices = #map1}, {transform_indices = #map1}, {transform_indices = #map}, {transform_indices = #map1}, {transform_indices = #map}, {transform_indices = #map1}]} {
    %mul3A = arith.constant 624 : i32
    %mul3A_0 = arith.muli %arg1, %mul3A : i32
    "tpu.region"() ({
      %run_scoped3A = tpu.sem_alloc : memref<!tpu.dma_semaphore, #tpu.memory_space<semaphore_mem>>
      %dma_start3A_79 = arith.constant 0 : i32
      %dma_start3A_80 = tpu.memref_slice %arg24[%mul3A_0, %dma_start3A_79] : memref<10000x128xf32, #tpu.memory_space<vmem_shared>> -> memref<624x128xf32, #tpu.memory_space<vmem_shared>>
      tpu.enqueue_dma source(%arg7 : memref<624x128xf32, #tpu.memory_space<hbm>>) target(%dma_start3A_80 : memref<624x128xf32, #tpu.memory_space<vmem_shared>>) target_semaphore(%run_scoped3A : memref<!tpu.dma_semaphore, #tpu.memory_space<semaphore_mem>>)
      %dma_wait3A = arith.constant 0 : i32
      %dma_wait3A_81 = tpu.memref_slice %arg24[%mul3A_0, %dma_wait3A] : memref<10000x128xf32, #tpu.memory_space<vmem_shared>> -> memref<624x128xf32, #tpu.memory_space<vmem_shared>>
      tpu.wait_dma2 semaphore(%run_scoped3A : memref<!tpu.dma_semaphore, #tpu.memory_space<semaphore_mem>>) src(%arg7 : memref<624x128xf32, #tpu.memory_space<hbm>>) dst(%dma_wait3A_81 : memref<624x128xf32, #tpu.memory_space<vmem_shared>>)
      tpu.yield
    }) : () -> ()
    %eq3A = arith.constant 15 : i32
    %eq3A_1 = arith.cmpi eq, %arg1, %eq3A : i32
    %convert_element_type3A = arith.extui %eq3A_1 : i1 to i32
    %cond3A = arith.constant 0 : i32
    %cond3A_2 = arith.cmpi ne, %convert_element_type3A, %cond3A : i32
    scf.if %cond3A_2 {
      "tpu.region"() ({
        %run_scoped3A = tpu.sem_alloc : memref<!tpu.dma_semaphore, #tpu.memory_space<semaphore_mem>>
        %dma_start3A_79 = arith.constant 9984 : i32
        %dma_start3A_80 = arith.constant 0 : i32
        %dma_start3A_81 = tpu.memref_slice %arg24[%dma_start3A_79, %dma_start3A_80] : memref<10000x128xf32, #tpu.memory_space<vmem_shared>> -> memref<16x128xf32, #tpu.memory_space<vmem_shared>>
        %dma_start3A_82 = arith.constant 0 : i32
        %dma_start3A_83 = arith.constant 0 : i32
        %dma_start3A_84 = tpu.memref_slice %arg7[%dma_start3A_82, %dma_start3A_83] : memref<624x128xf32, #tpu.memory_space<hbm>> -> memref<16x128xf32, #tpu.memory_space<hbm>>
        tpu.enqueue_dma source(%dma_start3A_84 : memref<16x128xf32, #tpu.memory_space<hbm>>) target(%dma_start3A_81 : memref<16x128xf32, #tpu.memory_space<vmem_shared>>) target_semaphore(%run_scoped3A : memref<!tpu.dma_semaphore, #tpu.memory_space<semaphore_mem>>)
        %dma_wait3A = arith.constant 9984 : i32
        %dma_wait3A_85 = arith.constant 0 : i32
        %dma_wait3A_86 = tpu.memref_slice %arg24[%dma_wait3A, %dma_wait3A_85] : memref<10000x128xf32, #tpu.memory_space<vmem_shared>> -> memref<16x128xf32, #tpu.memory_space<vmem_shared>>
        %dma_wait3A_87 = arith.constant 0 : i32
        %dma_wait3A_88 = arith.constant 0 : i32
        %dma_wait3A_89 = tpu.memref_slice %arg7[%dma_wait3A_87, %dma_wait3A_88] : memref<624x128xf32, #tpu.memory_space<hbm>> -> memref<16x128xf32, #tpu.memory_space<hbm>>
        tpu.wait_dma2 semaphore(%run_scoped3A : memref<!tpu.dma_semaphore, #tpu.memory_space<semaphore_mem>>) src(%dma_wait3A_89 : memref<16x128xf32, #tpu.memory_space<hbm>>) dst(%dma_wait3A_86 : memref<16x128xf32, #tpu.memory_space<vmem_shared>>)
        tpu.yield
      }) : () -> ()
    } else {
    }
    %eq3A_3 = arith.constant 0 : i32
    %eq3A_4 = arith.cmpi eq, %arg1, %eq3A_3 : i32
    %convert_element_type3A_5 = arith.extui %eq3A_4 : i1 to i32
    %cond3A_6 = arith.constant 0 : i32
    %cond3A_7 = arith.cmpi ne, %convert_element_type3A_5, %cond3A_6 : i32
    scf.if %cond3A_7 {
      "tpu.region"() ({
        %run_scoped3A = tpu.sem_alloc : memref<!tpu.dma_semaphore, #tpu.memory_space<semaphore_mem>>
        tpu.enqueue_dma source(%arg8 : memref<10000xf32, #tpu.memory_space<hbm>>) target(%arg25 : memref<10000xf32, #tpu.memory_space<vmem_shared>>) target_semaphore(%run_scoped3A : memref<!tpu.dma_semaphore, #tpu.memory_space<semaphore_mem>>)
        tpu.wait_dma2 semaphore(%run_scoped3A : memref<!tpu.dma_semaphore, #tpu.memory_space<semaphore_mem>>) src(%arg8 : memref<10000xf32, #tpu.memory_space<hbm>>) dst(%arg25 : memref<10000xf32, #tpu.memory_space<vmem_shared>>)
        tpu.yield
      }) : () -> ()
    } else {
    }
    %scan3A = arith.constant 0 : i32
    %scan3A_8 = arith.constant 0 : i32
    %scan3A_9 = arith.constant 4 : i32
    %scan3A_10 = arith.addi %scan3A_8, %scan3A_9 : i32
    %scan3A_11 = arith.constant 1 : i32
    %scan3A_12 = scf.for %scan3A_79 = %scan3A_8 to %scan3A_10 step %scan3A_11 iter_args(%scan3A_80 = %scan3A) -> (i32)  : i32 {
      %broadcast_in_dim3A = arith.constant 1.000000e+00 : f32
      %broadcast_in_dim3A_81 = vector.broadcast %broadcast_in_dim3A : f32 to vector<16xf32>
      %mul3A_82 = arith.constant 16 : i32
      %mul3A_83 = arith.muli %scan3A_79, %mul3A_82 : i32
      %swap3A = arith.index_cast %mul3A_83 : i32 to index
      %swap3A_84 = tpu.vector_load %arg23[%swap3A] {strides = array<i32>} : memref<64xf32, #tpu.memory_space<vmem>>, vector<16xf32>,
      %swap3A_85 = vector.shape_cast %swap3A_84 : vector<16xf32> to vector<16xf32>
      %swap3A_86 = vector.shape_cast %broadcast_in_dim3A_81 : vector<16xf32> to vector<16xf32>
      tpu.vector_store %arg23[%swap3A], %swap3A_86 {strides = array<i32>} : memref<64xf32, #tpu.memory_space<vmem>>, vector<16xf32>,
      %scan3A_87 = arith.constant 0 : i32
      scf.yield %scan3A_87 : i32
    }
    %scan3A_13 = arith.constant 4 : i32
    %barrier3A = arith.constant 0 : index
    tpu.barrier barrier_id(%barrier3A)
    %mul3A_14 = arith.constant 320000 : i32
    %mul3A_15 = arith.muli %arg0, %mul3A_14 : i32
    %mul3A_16 = arith.constant 10000 : i32
    %mul3A_17 = arith.muli %arg0, %mul3A_16 : i32
    %mul3A_18 = arith.constant 64 : i32
    %mul3A_19 = arith.muli %arg1, %mul3A_18 : i32
    "tpu.region"() ({
      %run_scoped3A = tpu.sem_alloc : memref<!tpu.dma_semaphore, #tpu.memory_space<semaphore_mem>>
      %dma_start3A_79 = tpu.memref_slice %arg5[%mul3A_19] : memref<320000xi32, #tpu.memory_space<hbm>> -> memref<64xi32, #tpu.memory_space<hbm>>
      %dma_start3A_80 = tpu.memref_slice %arg5[%mul3A_19] : memref<320000xi32, #tpu.memory_space<hbm>> -> memref<64xi32, #tpu.memory_space<hbm>>
      tpu.enqueue_dma source(%dma_start3A_80 : memref<64xi32, #tpu.memory_space<hbm>>) target(%arg12 : memref<64xi32, #tpu.memory_space<vmem>>) target_semaphore(%run_scoped3A : memref<!tpu.dma_semaphore, #tpu.memory_space<semaphore_mem>>)
      %dma_wait3A = tpu.memref_slice %arg5[%mul3A_19] : memref<320000xi32, #tpu.memory_space<hbm>> -> memref<64xi32, #tpu.memory_space<hbm>>
      %dma_wait3A_81 = tpu.memref_slice %arg5[%mul3A_19] : memref<320000xi32, #tpu.memory_space<hbm>> -> memref<64xi32, #tpu.memory_space<hbm>>
      tpu.wait_dma2 semaphore(%run_scoped3A : memref<!tpu.dma_semaphore, #tpu.memory_space<semaphore_mem>>) src(%dma_wait3A_81 : memref<64xi32, #tpu.memory_space<hbm>>) dst(%arg12 : memref<64xi32, #tpu.memory_space<vmem>>)
      tpu.yield
    }) : () -> ()
    %mul3A_20 = arith.constant 64 : i32
    %mul3A_21 = arith.muli %arg1, %mul3A_20 : i32
    "tpu.region"() ({
      %run_scoped3A = tpu.sem_alloc : memref<!tpu.dma_semaphore, #tpu.memory_space<semaphore_mem>>
      %dma_start3A_79 = tpu.memref_slice %arg6[%mul3A_21] : memref<320000xi32, #tpu.memory_space<hbm>> -> memref<64xi32, #tpu.memory_space<hbm>>
      %dma_start3A_80 = tpu.memref_slice %arg6[%mul3A_21] : memref<320000xi32, #tpu.memory_space<hbm>> -> memref<64xi32, #tpu.memory_space<hbm>>
      tpu.enqueue_dma source(%dma_start3A_80 : memref<64xi32, #tpu.memory_space<hbm>>) target(%arg11 : memref<64xi32, #tpu.memory_space<vmem>>) target_semaphore(%run_scoped3A : memref<!tpu.dma_semaphore, #tpu.memory_space<semaphore_mem>>)
      %dma_wait3A = tpu.memref_slice %arg6[%mul3A_21] : memref<320000xi32, #tpu.memory_space<hbm>> -> memref<64xi32, #tpu.memory_space<hbm>>
      %dma_wait3A_81 = tpu.memref_slice %arg6[%mul3A_21] : memref<320000xi32, #tpu.memory_space<hbm>> -> memref<64xi32, #tpu.memory_space<hbm>>
      tpu.wait_dma2 semaphore(%run_scoped3A : memref<!tpu.dma_semaphore, #tpu.memory_space<semaphore_mem>>) src(%dma_wait3A_81 : memref<64xi32, #tpu.memory_space<hbm>>) dst(%arg11 : memref<64xi32, #tpu.memory_space<vmem>>)
      tpu.yield
    }) : () -> ()
    %scan3A_22 = arith.constant 0 : i32
    %scan3A_23 = arith.constant 0 : i32
    %scan3A_24 = arith.constant 4 : i32
    %scan3A_25 = arith.addi %scan3A_23, %scan3A_24 : i32
    %scan3A_26 = arith.constant 1 : i32
    %scan3A_27 = scf.for %scan3A_79 = %scan3A_23 to %scan3A_25 step %scan3A_26 iter_args(%scan3A_80 = %scan3A_22) -> (i32)  : i32 {
      %mul3A_81 = arith.constant 16 : i32
      %mul3A_82 = arith.muli %scan3A_79, %mul3A_81 : i32
      %get3A = arith.index_cast %mul3A_82 : i32 to index
      %get3A_83 = tpu.vector_load %arg12[%get3A] {strides = array<i32>} : memref<64xi32, #tpu.memory_space<vmem>>, vector<16xi32>,
      %get3A_84 = vector.shape_cast %get3A_83 : vector<16xi32> to vector<16xi32>
      %add3A_85 = vector.broadcast %mul3A_17 : i32 to vector<16xi32>
      %add3A_86 = arith.addi %get3A_84, %add3A_85 : vector<16xi32>
      %swap3A = arith.index_cast %mul3A_82 : i32 to index
      %swap3A_87 = tpu.vector_load %arg12[%swap3A] {strides = array<i32>} : memref<64xi32, #tpu.memory_space<vmem>>, vector<16xi32>,
      %swap3A_88 = vector.shape_cast %swap3A_87 : vector<16xi32> to vector<16xi32>
      %swap3A_89 = vector.shape_cast %add3A_86 : vector<16xi32> to vector<16xi32>
      tpu.vector_store %arg12[%swap3A], %swap3A_89 {strides = array<i32>} : memref<64xi32, #tpu.memory_space<vmem>>, vector<16xi32>,
      %get3A_90 = arith.index_cast %mul3A_82 : i32 to index
      %get3A_91 = tpu.vector_load %arg11[%get3A_90] {strides = array<i32>} : memref<64xi32, #tpu.memory_space<vmem>>, vector<16xi32>,
      %get3A_92 = vector.shape_cast %get3A_91 : vector<16xi32> to vector<16xi32>
      %add3A_93 = vector.broadcast %mul3A_17 : i32 to vector<16xi32>
      %add3A_94 = arith.addi %get3A_92, %add3A_93 : vector<16xi32>
      %swap3A_95 = arith.index_cast %mul3A_82 : i32 to index
      %swap3A_96 = tpu.vector_load %arg13[%swap3A_95] {strides = array<i32>} : memref<64xi32, #tpu.memory_space<vmem>>, vector<16xi32>,
      %swap3A_97 = vector.shape_cast %swap3A_96 : vector<16xi32> to vector<16xi32>
      %swap3A_98 = vector.shape_cast %add3A_94 : vector<16xi32> to vector<16xi32>
      tpu.vector_store %arg13[%swap3A_95], %swap3A_98 {strides = array<i32>} : memref<64xi32, #tpu.memory_space<vmem>>, vector<16xi32>,
      %scan3A_99 = arith.constant 0 : i32
      scf.yield %scan3A_99 : i32
    }
    %scan3A_28 = arith.constant 4 : i32
    %mul3A_29 = arith.constant 64 : i32
    %mul3A_30 = arith.muli %arg1, %mul3A_29 : i32
    %dma_start3A = arith.constant 0 : i32
    %dma_start3A_31 = arith.constant 0 : i32
    %dma_start3A_32 = tpu.memref_slice %arg2[%dma_start3A, %dma_start3A_31] : memref<20000x128xf32, #tpu.memory_space<hbm>> -> memref<20000x128xf32, #tpu.memory_space<hbm>>
    tpu.enqueue_indirect_dma source(%dma_start3A_32 : memref<20000x128xf32, #tpu.memory_space<hbm>>) target(%arg17 : memref<64x128xf32, #tpu.memory_space<vmem>>) offsets(%arg12 : memref<64xi32, #tpu.memory_space<vmem>>) semaphore(%arg28 : memref<!tpu.dma_semaphore, #tpu.memory_space<semaphore_mem>>)
    %dma_start3A_33 = arith.constant 0 : i32
    %dma_start3A_34 = arith.constant 0 : i32
    %dma_start3A_35 = tpu.memref_slice %arg3[%dma_start3A_33, %dma_start3A_34] : memref<20000x128xf32, #tpu.memory_space<hbm>> -> memref<20000x128xf32, #tpu.memory_space<hbm>>
    tpu.enqueue_indirect_dma source(%dma_start3A_35 : memref<20000x128xf32, #tpu.memory_space<hbm>>) target(%arg18 : memref<64x128xf32, #tpu.memory_space<vmem>>) offsets(%arg13 : memref<64xi32, #tpu.memory_space<vmem>>) semaphore(%arg29 : memref<!tpu.dma_semaphore, #tpu.memory_space<semaphore_mem>>)
    %add3A = arith.addi %mul3A_15, %mul3A_30 : i32
    %dma_start3A_36 = arith.constant 0 : i32
    %dma_start3A_37 = tpu.memref_slice %arg4[%add3A, %dma_start3A_36] : memref<640000x128xf32, #tpu.memory_space<hbm>> -> memref<64x128xf32, #tpu.memory_space<hbm>>
    %dma_start3A_38 = arith.constant 0 : i32
    %dma_start3A_39 = tpu.memref_slice %arg4[%add3A, %dma_start3A_38] : memref<640000x128xf32, #tpu.memory_space<hbm>> -> memref<64x128xf32, #tpu.memory_space<hbm>>
    tpu.enqueue_dma source(%dma_start3A_39 : memref<64x128xf32, #tpu.memory_space<hbm>>) target(%arg19 : memref<64x128xf32, #tpu.memory_space<vmem>>) target_semaphore(%arg30 : memref<!tpu.dma_semaphore, #tpu.memory_space<semaphore_mem>>)
    %add3A_40 = arith.constant 16 : i32
    %add3A_41 = arith.addi %add3A_40, %arg1 : i32
    %mul3A_42 = arith.constant 64 : i32
    %mul3A_43 = arith.muli %add3A_41, %mul3A_42 : i32
    %dma_start3A_44 = tpu.memref_slice %arg5[%mul3A_43] : memref<320000xi32, #tpu.memory_space<hbm>> -> memref<64xi32, #tpu.memory_space<hbm>>
    %dma_start3A_45 = tpu.memref_slice %arg5[%mul3A_43] : memref<320000xi32, #tpu.memory_space<hbm>> -> memref<64xi32, #tpu.memory_space<hbm>>
    tpu.enqueue_dma source(%dma_start3A_45 : memref<64xi32, #tpu.memory_space<hbm>>) target(%arg15 : memref<64xi32, #tpu.memory_space<vmem>>) target_semaphore(%arg27 : memref<!tpu.dma_semaphore, #tpu.memory_space<semaphore_mem>>)
    %dma_start3A_46 = tpu.memref_slice %arg6[%mul3A_43] : memref<320000xi32, #tpu.memory_space<hbm>> -> memref<64xi32, #tpu.memory_space<hbm>>
    %dma_start3A_47 = tpu.memref_slice %arg6[%mul3A_43] : memref<320000xi32, #tpu.memory_space<hbm>> -> memref<64xi32, #tpu.memory_space<hbm>>
    tpu.enqueue_dma source(%dma_start3A_47 : memref<64xi32, #tpu.memory_space<hbm>>) target(%arg14 : memref<64xi32, #tpu.memory_space<vmem>>) target_semaphore(%arg27 : memref<!tpu.dma_semaphore, #tpu.memory_space<semaphore_mem>>)
    %scan3A_48 = arith.constant 0 : i32
    %scan3A_49 = arith.constant 0 : i32
    %scan3A_50 = arith.constant 156 : i32
    %scan3A_51 = arith.addi %scan3A_49, %scan3A_50 : i32
    %scan3A_52 = arith.constant 1 : i32
    %scan3A_53 = scf.for %scan3A_79 = %scan3A_49 to %scan3A_51 step %scan3A_52 iter_args(%scan3A_80 = %scan3A_48) -> (i32)  : i32 {
      %mul3A_81 = arith.constant 2 : i32
      %mul3A_82 = arith.muli %mul3A_81, %scan3A_79 : i32
      %add3A_83 = arith.constant 0 : i32
      %add3A_84 = arith.addi %mul3A_82, %add3A_83 : i32
      %add3A_85 = arith.constant 1 : i32
      %add3A_86 = arith.addi %add3A_84, %add3A_85 : i32
      %mul3A_87 = arith.constant 16 : i32
      %mul3A_88 = arith.muli %add3A_86, %mul3A_87 : i32
      %add3A_89 = arith.addi %mul3A_88, %arg1 : i32
      %add3A_90 = arith.constant 2 : i32
      %add3A_91 = arith.addi %add3A_84, %add3A_90 : i32
      %mul3A_92 = arith.constant 16 : i32
      %mul3A_93 = arith.muli %add3A_91, %mul3A_92 : i32
      %add3A_94 = arith.addi %mul3A_93, %arg1 : i32
      %add3A_95 = arith.constant 1 : i32
      %add3A_96 = arith.addi %add3A_84, %add3A_95 : i32
      %lt3A_97 = arith.constant 312 : i32
      %lt3A_98 = arith.cmpi slt, %add3A_96, %lt3A_97 : i32
      %convert_element_type3A_99 = arith.extui %lt3A_98 : i1 to i32
      %cond3A_100 = arith.constant 0 : i32
      %cond3A_101 = arith.cmpi ne, %convert_element_type3A_99, %cond3A_100 : i32
      scf.if %cond3A_101 {
        %dma_wait3A_181 = arith.constant 0 : i32
        %dma_wait3A_182 = tpu.memref_slice %arg5[%dma_wait3A_181] : memref<320000xi32, #tpu.memory_space<hbm>> -> memref<64xi32, #tpu.memory_space<hbm>>
        %dma_wait3A_183 = arith.constant 0 : i32
        %dma_wait3A_184 = tpu.memref_slice %arg5[%dma_wait3A_183] : memref<320000xi32, #tpu.memory_space<hbm>> -> memref<64xi32, #tpu.memory_space<hbm>>
        tpu.wait_dma2 semaphore(%arg27 : memref<!tpu.dma_semaphore, #tpu.memory_space<semaphore_mem>>) src(%dma_wait3A_184 : memref<64xi32, #tpu.memory_space<hbm>>) dst(%arg15 : memref<64xi32, #tpu.memory_space<vmem>>)
        %dma_wait3A_185 = arith.constant 0 : i32
        %dma_wait3A_186 = tpu.memref_slice %arg6[%dma_wait3A_185] : memref<320000xi32, #tpu.memory_space<hbm>> -> memref<64xi32, #tpu.memory_space<hbm>>
        %dma_wait3A_187 = arith.constant 0 : i32
        %dma_wait3A_188 = tpu.memref_slice %arg6[%dma_wait3A_187] : memref<320000xi32, #tpu.memory_space<hbm>> -> memref<64xi32, #tpu.memory_space<hbm>>
        tpu.wait_dma2 semaphore(%arg27 : memref<!tpu.dma_semaphore, #tpu.memory_space<semaphore_mem>>) src(%dma_wait3A_188 : memref<64xi32, #tpu.memory_space<hbm>>) dst(%arg14 : memref<64xi32, #tpu.memory_space<vmem>>)
        %scan3A_189 = arith.constant 0 : i32
        %scan3A_190 = arith.constant 0 : i32
        %scan3A_191 = arith.constant 4 : i32
        %scan3A_192 = arith.addi %scan3A_190, %scan3A_191 : i32
        %scan3A_193 = arith.constant 1 : i32
        %scan3A_194 = scf.for %scan3A_209 = %scan3A_190 to %scan3A_192 step %scan3A_193 iter_args(%scan3A_210 = %scan3A_189) -> (i32)  : i32 {
          %mul3A_211 = arith.constant 16 : i32
          %mul3A_212 = arith.muli %scan3A_209, %mul3A_211 : i32
          %get3A = arith.index_cast %mul3A_212 : i32 to index
          %get3A_213 = tpu.vector_load %arg15[%get3A] {strides = array<i32>} : memref<64xi32, #tpu.memory_space<vmem>>, vector<16xi32>,
          %get3A_214 = vector.shape_cast %get3A_213 : vector<16xi32> to vector<16xi32>
          %add3A_215 = vector.broadcast %mul3A_17 : i32 to vector<16xi32>
          %add3A_216 = arith.addi %get3A_214, %add3A_215 : vector<16xi32>
          %swap3A = arith.index_cast %mul3A_212 : i32 to index
          %swap3A_217 = tpu.vector_load %arg15[%swap3A] {strides = array<i32>} : memref<64xi32, #tpu.memory_space<vmem>>, vector<16xi32>,
          %swap3A_218 = vector.shape_cast %swap3A_217 : vector<16xi32> to vector<16xi32>
          %swap3A_219 = vector.shape_cast %add3A_216 : vector<16xi32> to vector<16xi32>
          tpu.vector_store %arg15[%swap3A], %swap3A_219 {strides = array<i32>} : memref<64xi32, #tpu.memory_space<vmem>>, vector<16xi32>,
          %get3A_220 = arith.index_cast %mul3A_212 : i32 to index
          %get3A_221 = tpu.vector_load %arg14[%get3A_220] {strides = array<i32>} : memref<64xi32, #tpu.memory_space<vmem>>, vector<16xi32>,
          %get3A_222 = vector.shape_cast %get3A_221 : vector<16xi32> to vector<16xi32>
          %add3A_223 = vector.broadcast %mul3A_17 : i32 to vector<16xi32>
          %add3A_224 = arith.addi %get3A_222, %add3A_223 : vector<16xi32>
          %swap3A_225 = arith.index_cast %mul3A_212 : i32 to index
          %swap3A_226 = tpu.vector_load %arg16[%swap3A_225] {strides = array<i32>} : memref<64xi32, #tpu.memory_space<vmem>>, vector<16xi32>,
          %swap3A_227 = vector.shape_cast %swap3A_226 : vector<16xi32> to vector<16xi32>
          %swap3A_228 = vector.shape_cast %add3A_224 : vector<16xi32> to vector<16xi32>
          tpu.vector_store %arg16[%swap3A_225], %swap3A_228 {strides = array<i32>} : memref<64xi32, #tpu.memory_space<vmem>>, vector<16xi32>,
          %scan3A_229 = arith.constant 0 : i32
          scf.yield %scan3A_229 : i32
        }
        %scan3A_195 = arith.constant 4 : i32
        %mul3A_196 = arith.constant 64 : i32
        %mul3A_197 = arith.muli %add3A_89, %mul3A_196 : i32
        %dma_start3A_198 = arith.constant 0 : i32
        %dma_start3A_199 = arith.constant 0 : i32
        %dma_start3A_200 = tpu.memref_slice %arg2[%dma_start3A_198, %dma_start3A_199] : memref<20000x128xf32, #tpu.memory_space<hbm>> -> memref<20000x128xf32, #tpu.memory_space<hbm>>
        tpu.enqueue_indirect_dma source(%dma_start3A_200 : memref<20000x128xf32, #tpu.memory_space<hbm>>) target(%arg20 : memref<64x128xf32, #tpu.memory_space<vmem>>) offsets(%arg15 : memref<64xi32, #tpu.memory_space<vmem>>) semaphore(%arg31 : memref<!tpu.dma_semaphore, #tpu.memory_space<semaphore_mem>>)
        %dma_start3A_201 = arith.constant 0 : i32
        %dma_start3A_202 = arith.constant 0 : i32
        %dma_start3A_203 = tpu.memref_slice %arg3[%dma_start3A_201, %dma_start3A_202] : memref<20000x128xf32, #tpu.memory_space<hbm>> -> memref<20000x128xf32, #tpu.memory_space<hbm>>
        tpu.enqueue_indirect_dma source(%dma_start3A_203 : memref<20000x128xf32, #tpu.memory_space<hbm>>) target(%arg21 : memref<64x128xf32, #tpu.memory_space<vmem>>) offsets(%arg16 : memref<64xi32, #tpu.memory_space<vmem>>) semaphore(%arg32 : memref<!tpu.dma_semaphore, #tpu.memory_space<semaphore_mem>>)
        %add3A_204 = arith.addi %mul3A_15, %mul3A_197 : i32
        %dma_start3A_205 = arith.constant 0 : i32
        %dma_start3A_206 = tpu.memref_slice %arg4[%add3A_204, %dma_start3A_205] : memref<640000x128xf32, #tpu.memory_space<hbm>> -> memref<64x128xf32, #tpu.memory_space<hbm>>
        %dma_start3A_207 = arith.constant 0 : i32
        %dma_start3A_208 = tpu.memref_slice %arg4[%add3A_204, %dma_start3A_207] : memref<640000x128xf32, #tpu.memory_space<hbm>> -> memref<64x128xf32, #tpu.memory_space<hbm>>
        tpu.enqueue_dma source(%dma_start3A_208 : memref<64x128xf32, #tpu.memory_space<hbm>>) target(%arg22 : memref<64x128xf32, #tpu.memory_space<vmem>>) target_semaphore(%arg33 : memref<!tpu.dma_semaphore, #tpu.memory_space<semaphore_mem>>)
      } else {
      }
      %dma_wait3A = arith.constant 0 : i32
      %dma_wait3A_102 = arith.constant 0 : i32
      %dma_wait3A_103 = tpu.memref_slice %arg2[%dma_wait3A, %dma_wait3A_102] : memref<20000x128xf32, #tpu.memory_space<hbm>> -> memref<20000x128xf32, #tpu.memory_space<hbm>>
      tpu.wait_indirect_dma semaphore(%arg28 : memref<!tpu.dma_semaphore, #tpu.memory_space<semaphore_mem>>) src(%dma_wait3A_103 : memref<20000x128xf32, #tpu.memory_space<hbm>>) dst(%arg17 : memref<64x128xf32, #tpu.memory_space<vmem>>)
      %dma_wait3A_104 = arith.constant 0 : i32
      %dma_wait3A_105 = arith.constant 0 : i32
      %dma_wait3A_106 = tpu.memref_slice %arg3[%dma_wait3A_104, %dma_wait3A_105] : memref<20000x128xf32, #tpu.memory_space<hbm>> -> memref<20000x128xf32, #tpu.memory_space<hbm>>
      tpu.wait_indirect_dma semaphore(%arg29 : memref<!tpu.dma_semaphore, #tpu.memory_space<semaphore_mem>>) src(%dma_wait3A_106 : memref<20000x128xf32, #tpu.memory_space<hbm>>) dst(%arg18 : memref<64x128xf32, #tpu.memory_space<vmem>>)
      %dma_wait3A_107 = arith.constant 0 : i32
      %dma_wait3A_108 = tpu.memref_slice %arg4[%mul3A_15, %dma_wait3A_107] : memref<640000x128xf32, #tpu.memory_space<hbm>> -> memref<64x128xf32, #tpu.memory_space<hbm>>
      %dma_wait3A_109 = arith.constant 0 : i32
      %dma_wait3A_110 = tpu.memref_slice %arg4[%mul3A_15, %dma_wait3A_109] : memref<640000x128xf32, #tpu.memory_space<hbm>> -> memref<64x128xf32, #tpu.memory_space<hbm>>
      tpu.wait_dma2 semaphore(%arg30 : memref<!tpu.dma_semaphore, #tpu.memory_space<semaphore_mem>>) src(%dma_wait3A_110 : memref<64x128xf32, #tpu.memory_space<hbm>>) dst(%arg19 : memref<64x128xf32, #tpu.memory_space<vmem>>)
      %scan3A_111 = arith.constant 0 : i32
      %scan3A_112 = arith.constant 0 : i32
      %scan3A_113 = arith.constant 64 : i32
      %scan3A_114 = arith.addi %scan3A_112, %scan3A_113 : i32
      %scan3A_115 = arith.constant 1 : i32
      %scan3A_116 = scf.for %scan3A_181 = %scan3A_112 to %scan3A_114 step %scan3A_115 iter_args(%scan3A_182 = %scan3A_111) -> (i32)  : i32 {
        %get3A = arith.index_cast %scan3A_181 : i32 to index
        %get3A_183 = arith.constant 0 : index
        %get3A_184 = tpu.vector_load %arg17[%get3A, %get3A_183] {strides = array<i32>} : memref<64x128xf32, #tpu.memory_space<vmem>>, vector<1x16xf32>,
        %get3A_185 = vector.shape_cast %get3A_184 : vector<1x16xf32> to vector<16xf32>
        %get3A_186 = arith.index_cast %scan3A_181 : i32 to index
        %get3A_187 = arith.constant 0 : index
        %get3A_188 = tpu.vector_load %arg18[%get3A_186, %get3A_187] {strides = array<i32>} : memref<64x128xf32, #tpu.memory_space<vmem>>, vector<1x16xf32>,
        %get3A_189 = vector.shape_cast %get3A_188 : vector<1x16xf32> to vector<16xf32>
        %add3A_190 = arith.addf %get3A_185, %get3A_189 : vector<16xf32>
        %get3A_191 = arith.index_cast %scan3A_181 : i32 to index
        %get3A_192 = arith.constant 0 : index
        %get3A_193 = tpu.vector_load %arg19[%get3A_191, %get3A_192] {strides = array<i32>} : memref<64x128xf32, #tpu.memory_space<vmem>>, vector<1x16xf32>,
        %get3A_194 = vector.shape_cast %get3A_193 : vector<1x16xf32> to vector<16xf32>
        %add3A_195 = arith.addf %add3A_190, %get3A_194 : vector<16xf32>
        %max3A = arith.constant 0.000000e+00 : f32
        %max3A_196 = vector.broadcast %max3A : f32 to vector<16xf32>
        %max3A_197 = arith.maximumf %add3A_195, %max3A_196 : vector<16xf32>
        %swap3A = arith.index_cast %scan3A_181 : i32 to index
        %swap3A_198 = arith.constant 0 : index
        %swap3A_199 = tpu.vector_load %arg19[%swap3A, %swap3A_198] {strides = array<i32>} : memref<64x128xf32, #tpu.memory_space<vmem>>, vector<1x16xf32>,
        %swap3A_200 = vector.shape_cast %swap3A_199 : vector<1x16xf32> to vector<16xf32>
        %swap3A_201 = vector.shape_cast %max3A_197 : vector<16xf32> to vector<1x16xf32>
        tpu.vector_store %arg19[%swap3A, %swap3A_198], %swap3A_201 {strides = array<i32>} : memref<64x128xf32, #tpu.memory_space<vmem>>, vector<1x16xf32>,
        %get3A_202 = arith.index_cast %scan3A_181 : i32 to index
        %get3A_203 = arith.constant 16 : index
        %get3A_204 = tpu.vector_load %arg17[%get3A_202, %get3A_203] {strides = array<i32>} : memref<64x128xf32, #tpu.memory_space<vmem>>, vector<1x16xf32>,
        %get3A_205 = vector.shape_cast %get3A_204 : vector<1x16xf32> to vector<16xf32>
        %get3A_206 = arith.index_cast %scan3A_181 : i32 to index
        %get3A_207 = arith.constant 16 : index
        %get3A_208 = tpu.vector_load %arg18[%get3A_206, %get3A_207] {strides = array<i32>} : memref<64x128xf32, #tpu.memory_space<vmem>>, vector<1x16xf32>,
        %get3A_209 = vector.shape_cast %get3A_208 : vector<1x16xf32> to vector<16xf32>
        %add3A_210 = arith.addf %get3A_205, %get3A_209 : vector<16xf32>
        %get3A_211 = arith.index_cast %scan3A_181 : i32 to index
        %get3A_212 = arith.constant 16 : index
        %get3A_213 = tpu.vector_load %arg19[%get3A_211, %get3A_212] {strides = array<i32>} : memref<64x128xf32, #tpu.memory_space<vmem>>, vector<1x16xf32>,
        %get3A_214 = vector.shape_cast %get3A_213 : vector<1x16xf32> to vector<16xf32>
        %add3A_215 = arith.addf %add3A_210, %get3A_214 : vector<16xf32>
        %max3A_216 = arith.constant 0.000000e+00 : f32
        %max3A_217 = vector.broadcast %max3A_216 : f32 to vector<16xf32>
        %max3A_218 = arith.maximumf %add3A_215, %max3A_217 : vector<16xf32>
        %swap3A_219 = arith.index_cast %scan3A_181 : i32 to index
        %swap3A_220 = arith.constant 16 : index
        %swap3A_221 = tpu.vector_load %arg19[%swap3A_219, %swap3A_220] {strides = array<i32>} : memref<64x128xf32, #tpu.memory_space<vmem>>, vector<1x16xf32>,
        %swap3A_222 = vector.shape_cast %swap3A_221 : vector<1x16xf32> to vector<16xf32>
        %swap3A_223 = vector.shape_cast %max3A_218 : vector<16xf32> to vector<1x16xf32>
        tpu.vector_store %arg19[%swap3A_219, %swap3A_220], %swap3A_223 {strides = array<i32>} : memref<64x128xf32, #tpu.memory_space<vmem>>, vector<1x16xf32>,
        %get3A_224 = arith.index_cast %scan3A_181 : i32 to index
        %get3A_225 = arith.constant 32 : index
        %get3A_226 = tpu.vector_load %arg17[%get3A_224, %get3A_225] {strides = array<i32>} : memref<64x128xf32, #tpu.memory_space<vmem>>, vector<1x16xf32>,
        %get3A_227 = vector.shape_cast %get3A_226 : vector<1x16xf32> to vector<16xf32>
        %get3A_228 = arith.index_cast %scan3A_181 : i32 to index
        %get3A_229 = arith.constant 32 : index
        %get3A_230 = tpu.vector_load %arg18[%get3A_228, %get3A_229] {strides = array<i32>} : memref<64x128xf32, #tpu.memory_space<vmem>>, vector<1x16xf32>,
        %get3A_231 = vector.shape_cast %get3A_230 : vector<1x16xf32> to vector<16xf32>
        %add3A_232 = arith.addf %get3A_227, %get3A_231 : vector<16xf32>
        %get3A_233 = arith.index_cast %scan3A_181 : i32 to index
        %get3A_234 = arith.constant 32 : index
        %get3A_235 = tpu.vector_load %arg19[%get3A_233, %get3A_234] {strides = array<i32>} : memref<64x128xf32, #tpu.memory_space<vmem>>, vector<1x16xf32>,
        %get3A_236 = vector.shape_cast %get3A_235 : vector<1x16xf32> to vector<16xf32>
        %add3A_237 = arith.addf %add3A_232, %get3A_236 : vector<16xf32>
        %max3A_238 = arith.constant 0.000000e+00 : f32
        %max3A_239 = vector.broadcast %max3A_238 : f32 to vector<16xf32>
        %max3A_240 = arith.maximumf %add3A_237, %max3A_239 : vector<16xf32>
        %swap3A_241 = arith.index_cast %scan3A_181 : i32 to index
        %swap3A_242 = arith.constant 32 : index
        %swap3A_243 = tpu.vector_load %arg19[%swap3A_241, %swap3A_242] {strides = array<i32>} : memref<64x128xf32, #tpu.memory_space<vmem>>, vector<1x16xf32>,
        %swap3A_244 = vector.shape_cast %swap3A_243 : vector<1x16xf32> to vector<16xf32>
        %swap3A_245 = vector.shape_cast %max3A_240 : vector<16xf32> to vector<1x16xf32>
        tpu.vector_store %arg19[%swap3A_241, %swap3A_242], %swap3A_245 {strides = array<i32>} : memref<64x128xf32, #tpu.memory_space<vmem>>, vector<1x16xf32>,
        %get3A_246 = arith.index_cast %scan3A_181 : i32 to index
        %get3A_247 = arith.constant 48 : index
        %get3A_248 = tpu.vector_load %arg17[%get3A_246, %get3A_247] {strides = array<i32>} : memref<64x128xf32, #tpu.memory_space<vmem>>, vector<1x16xf32>,
        %get3A_249 = vector.shape_cast %get3A_248 : vector<1x16xf32> to vector<16xf32>
        %get3A_250 = arith.index_cast %scan3A_181 : i32 to index
        %get3A_251 = arith.constant 48 : index
        %get3A_252 = tpu.vector_load %arg18[%get3A_250, %get3A_251] {strides = array<i32>} : memref<64x128xf32, #tpu.memory_space<vmem>>, vector<1x16xf32>,
        %get3A_253 = vector.shape_cast %get3A_252 : vector<1x16xf32> to vector<16xf32>
        %add3A_254 = arith.addf %get3A_249, %get3A_253 : vector<16xf32>
        %get3A_255 = arith.index_cast %scan3A_181 : i32 to index
        %get3A_256 = arith.constant 48 : index
        %get3A_257 = tpu.vector_load %arg19[%get3A_255, %get3A_256] {strides = array<i32>} : memref<64x128xf32, #tpu.memory_space<vmem>>, vector<1x16xf32>,
        %get3A_258 = vector.shape_cast %get3A_257 : vector<1x16xf32> to vector<16xf32>
        %add3A_259 = arith.addf %add3A_254, %get3A_258 : vector<16xf32>
        %max3A_260 = arith.constant 0.000000e+00 : f32
        %max3A_261 = vector.broadcast %max3A_260 : f32 to vector<16xf32>
        %max3A_262 = arith.maximumf %add3A_259, %max3A_261 : vector<16xf32>
        %swap3A_263 = arith.index_cast %scan3A_181 : i32 to index
        %swap3A_264 = arith.constant 48 : index
        %swap3A_265 = tpu.vector_load %arg19[%swap3A_263, %swap3A_264] {strides = array<i32>} : memref<64x128xf32, #tpu.memory_space<vmem>>, vector<1x16xf32>,
        %swap3A_266 = vector.shape_cast %swap3A_265 : vector<1x16xf32> to vector<16xf32>
        %swap3A_267 = vector.shape_cast %max3A_262 : vector<16xf32> to vector<1x16xf32>
        tpu.vector_store %arg19[%swap3A_263, %swap3A_264], %swap3A_267 {strides = array<i32>} : memref<64x128xf32, #tpu.memory_space<vmem>>, vector<1x16xf32>,
        %get3A_268 = arith.index_cast %scan3A_181 : i32 to index
        %get3A_269 = arith.constant 64 : index
        %get3A_270 = tpu.vector_load %arg17[%get3A_268, %get3A_269] {strides = array<i32>} : memref<64x128xf32, #tpu.memory_space<vmem>>, vector<1x16xf32>,
        %get3A_271 = vector.shape_cast %get3A_270 : vector<1x16xf32> to vector<16xf32>
        %get3A_272 = arith.index_cast %scan3A_181 : i32 to index
        %get3A_273 = arith.constant 64 : index
        %get3A_274 = tpu.vector_load %arg18[%get3A_272, %get3A_273] {strides = array<i32>} : memref<64x128xf32, #tpu.memory_space<vmem>>, vector<1x16xf32>,
        %get3A_275 = vector.shape_cast %get3A_274 : vector<1x16xf32> to vector<16xf32>
        %add3A_276 = arith.addf %get3A_271, %get3A_275 : vector<16xf32>
        %get3A_277 = arith.index_cast %scan3A_181 : i32 to index
        %get3A_278 = arith.constant 64 : index
        %get3A_279 = tpu.vector_load %arg19[%get3A_277, %get3A_278] {strides = array<i32>} : memref<64x128xf32, #tpu.memory_space<vmem>>, vector<1x16xf32>,
        %get3A_280 = vector.shape_cast %get3A_279 : vector<1x16xf32> to vector<16xf32>
        %add3A_281 = arith.addf %add3A_276, %get3A_280 : vector<16xf32>
        %max3A_282 = arith.constant 0.000000e+00 : f32
        %max3A_283 = vector.broadcast %max3A_282 : f32 to vector<16xf32>
        %max3A_284 = arith.maximumf %add3A_281, %max3A_283 : vector<16xf32>
        %swap3A_285 = arith.index_cast %scan3A_181 : i32 to index
        %swap3A_286 = arith.constant 64 : index
        %swap3A_287 = tpu.vector_load %arg19[%swap3A_285, %swap3A_286] {strides = array<i32>} : memref<64x128xf32, #tpu.memory_space<vmem>>, vector<1x16xf32>,
        %swap3A_288 = vector.shape_cast %swap3A_287 : vector<1x16xf32> to vector<16xf32>
        %swap3A_289 = vector.shape_cast %max3A_284 : vector<16xf32> to vector<1x16xf32>
        tpu.vector_store %arg19[%swap3A_285, %swap3A_286], %swap3A_289 {strides = array<i32>} : memref<64x128xf32, #tpu.memory_space<vmem>>, vector<1x16xf32>,
        %get3A_290 = arith.index_cast %scan3A_181 : i32 to index
        %get3A_291 = arith.constant 80 : index
        %get3A_292 = tpu.vector_load %arg17[%get3A_290, %get3A_291] {strides = array<i32>} : memref<64x128xf32, #tpu.memory_space<vmem>>, vector<1x16xf32>,
        %get3A_293 = vector.shape_cast %get3A_292 : vector<1x16xf32> to vector<16xf32>
        %get3A_294 = arith.index_cast %scan3A_181 : i32 to index
        %get3A_295 = arith.constant 80 : index
        %get3A_296 = tpu.vector_load %arg18[%get3A_294, %get3A_295] {strides = array<i32>} : memref<64x128xf32, #tpu.memory_space<vmem>>, vector<1x16xf32>,
        %get3A_297 = vector.shape_cast %get3A_296 : vector<1x16xf32> to vector<16xf32>
        %add3A_298 = arith.addf %get3A_293, %get3A_297 : vector<16xf32>
        %get3A_299 = arith.index_cast %scan3A_181 : i32 to index
        %get3A_300 = arith.constant 80 : index
        %get3A_301 = tpu.vector_load %arg19[%get3A_299, %get3A_300] {strides = array<i32>} : memref<64x128xf32, #tpu.memory_space<vmem>>, vector<1x16xf32>,
        %get3A_302 = vector.shape_cast %get3A_301 : vector<1x16xf32> to vector<16xf32>
        %add3A_303 = arith.addf %add3A_298, %get3A_302 : vector<16xf32>
        %max3A_304 = arith.constant 0.000000e+00 : f32
        %max3A_305 = vector.broadcast %max3A_304 : f32 to vector<16xf32>
        %max3A_306 = arith.maximumf %add3A_303, %max3A_305 : vector<16xf32>
        %swap3A_307 = arith.index_cast %scan3A_181 : i32 to index
        %swap3A_308 = arith.constant 80 : index
        %swap3A_309 = tpu.vector_load %arg19[%swap3A_307, %swap3A_308] {strides = array<i32>} : memref<64x128xf32, #tpu.memory_space<vmem>>, vector<1x16xf32>,
        %swap3A_310 = vector.shape_cast %swap3A_309 : vector<1x16xf32> to vector<16xf32>
        %swap3A_311 = vector.shape_cast %max3A_306 : vector<16xf32> to vector<1x16xf32>
        tpu.vector_store %arg19[%swap3A_307, %swap3A_308], %swap3A_311 {strides = array<i32>} : memref<64x128xf32, #tpu.memory_space<vmem>>, vector<1x16xf32>,
        %get3A_312 = arith.index_cast %scan3A_181 : i32 to index
        %get3A_313 = arith.constant 96 : index
        %get3A_314 = tpu.vector_load %arg17[%get3A_312, %get3A_313] {strides = array<i32>} : memref<64x128xf32, #tpu.memory_space<vmem>>, vector<1x16xf32>,
        %get3A_315 = vector.shape_cast %get3A_314 : vector<1x16xf32> to vector<16xf32>
        %get3A_316 = arith.index_cast %scan3A_181 : i32 to index
        %get3A_317 = arith.constant 96 : index
        %get3A_318 = tpu.vector_load %arg18[%get3A_316, %get3A_317] {strides = array<i32>} : memref<64x128xf32, #tpu.memory_space<vmem>>, vector<1x16xf32>,
        %get3A_319 = vector.shape_cast %get3A_318 : vector<1x16xf32> to vector<16xf32>
        %add3A_320 = arith.addf %get3A_315, %get3A_319 : vector<16xf32>
        %get3A_321 = arith.index_cast %scan3A_181 : i32 to index
        %get3A_322 = arith.constant 96 : index
        %get3A_323 = tpu.vector_load %arg19[%get3A_321, %get3A_322] {strides = array<i32>} : memref<64x128xf32, #tpu.memory_space<vmem>>, vector<1x16xf32>,
        %get3A_324 = vector.shape_cast %get3A_323 : vector<1x16xf32> to vector<16xf32>
        %add3A_325 = arith.addf %add3A_320, %get3A_324 : vector<16xf32>
        %max3A_326 = arith.constant 0.000000e+00 : f32
        %max3A_327 = vector.broadcast %max3A_326 : f32 to vector<16xf32>
        %max3A_328 = arith.maximumf %add3A_325, %max3A_327 : vector<16xf32>
        %swap3A_329 = arith.index_cast %scan3A_181 : i32 to index
        %swap3A_330 = arith.constant 96 : index
        %swap3A_331 = tpu.vector_load %arg19[%swap3A_329, %swap3A_330] {strides = array<i32>} : memref<64x128xf32, #tpu.memory_space<vmem>>, vector<1x16xf32>,
        %swap3A_332 = vector.shape_cast %swap3A_331 : vector<1x16xf32> to vector<16xf32>
        %swap3A_333 = vector.shape_cast %max3A_328 : vector<16xf32> to vector<1x16xf32>
        tpu.vector_store %arg19[%swap3A_329, %swap3A_330], %swap3A_333 {strides = array<i32>} : memref<64x128xf32, #tpu.memory_space<vmem>>, vector<1x16xf32>,
        %get3A_334 = arith.index_cast %scan3A_181 : i32 to index
        %get3A_335 = arith.constant 112 : index
        %get3A_336 = tpu.vector_load %arg17[%get3A_334, %get3A_335] {strides = array<i32>} : memref<64x128xf32, #tpu.memory_space<vmem>>, vector<1x16xf32>,
        %get3A_337 = vector.shape_cast %get3A_336 : vector<1x16xf32> to vector<16xf32>
        %get3A_338 = arith.index_cast %scan3A_181 : i32 to index
        %get3A_339 = arith.constant 112 : index
        %get3A_340 = tpu.vector_load %arg18[%get3A_338, %get3A_339] {strides = array<i32>} : memref<64x128xf32, #tpu.memory_space<vmem>>, vector<1x16xf32>,
        %get3A_341 = vector.shape_cast %get3A_340 : vector<1x16xf32> to vector<16xf32>
        %add3A_342 = arith.addf %get3A_337, %get3A_341 : vector<16xf32>
        %get3A_343 = arith.index_cast %scan3A_181 : i32 to index
        %get3A_344 = arith.constant 112 : index
        %get3A_345 = tpu.vector_load %arg19[%get3A_343, %get3A_344] {strides = array<i32>} : memref<64x128xf32, #tpu.memory_space<vmem>>, vector<1x16xf32>,
        %get3A_346 = vector.shape_cast %get3A_345 : vector<1x16xf32> to vector<16xf32>
        %add3A_347 = arith.addf %add3A_342, %get3A_346 : vector<16xf32>
        %max3A_348 = arith.constant 0.000000e+00 : f32
        %max3A_349 = vector.broadcast %max3A_348 : f32 to vector<16xf32>
        %max3A_350 = arith.maximumf %add3A_347, %max3A_349 : vector<16xf32>
        %swap3A_351 = arith.index_cast %scan3A_181 : i32 to index
        %swap3A_352 = arith.constant 112 : index
        %swap3A_353 = tpu.vector_load %arg19[%swap3A_351, %swap3A_352] {strides = array<i32>} : memref<64x128xf32, #tpu.memory_space<vmem>>, vector<1x16xf32>,
        %swap3A_354 = vector.shape_cast %swap3A_353 : vector<1x16xf32> to vector<16xf32>
        %swap3A_355 = vector.shape_cast %max3A_350 : vector<16xf32> to vector<1x16xf32>
        tpu.vector_store %arg19[%swap3A_351, %swap3A_352], %swap3A_355 {strides = array<i32>} : memref<64x128xf32, #tpu.memory_space<vmem>>, vector<1x16xf32>,
        %scan3A_356 = arith.constant 0 : i32
        scf.yield %scan3A_356 : i32
      }
      %scan3A_117 = arith.constant 64 : i32
      "tpu.region"() ({
        %run_scoped3A = tpu.sem_alloc : memref<!tpu.dma_semaphore, #tpu.memory_space<semaphore_mem>>
        %dma_start3A_181 = arith.constant 0 : i32
        %dma_start3A_182 = arith.constant 0 : i32
        %dma_start3A_183 = tpu.memref_slice %arg24[%dma_start3A_181, %dma_start3A_182] : memref<10000x128xf32, #tpu.memory_space<vmem_shared>> -> memref<10000x128xf32, #tpu.memory_space<vmem_shared>>
        tpu.enqueue_indirect_dma source(%arg19 : memref<64x128xf32, #tpu.memory_space<vmem>>) target(%dma_start3A_183 : memref<10000x128xf32, #tpu.memory_space<vmem_shared>>) offsets(%arg11 : memref<64xi32, #tpu.memory_space<vmem>>) semaphore(%run_scoped3A : memref<!tpu.dma_semaphore, #tpu.memory_space<semaphore_mem>>) {add = true}
        %dma_wait3A_184 = arith.constant 0 : i32
        %dma_wait3A_185 = arith.constant 0 : i32
        %dma_wait3A_186 = tpu.memref_slice %arg24[%dma_wait3A_184, %dma_wait3A_185] : memref<10000x128xf32, #tpu.memory_space<vmem_shared>> -> memref<10000x128xf32, #tpu.memory_space<vmem_shared>>
        tpu.wait_indirect_dma semaphore(%run_scoped3A : memref<!tpu.dma_semaphore, #tpu.memory_space<semaphore_mem>>) src(%arg19 : memref<64x128xf32, #tpu.memory_space<vmem>>) dst(%dma_wait3A_186 : memref<10000x128xf32, #tpu.memory_space<vmem_shared>>)
        tpu.yield
      }) : () -> ()
      %eq3A_118 = arith.constant 0 : i32
      %eq3A_119 = arith.cmpi eq, %arg0, %eq3A_118 : i32
      %convert_element_type3A_120 = arith.extui %eq3A_119 : i1 to i32
      %cond3A_121 = arith.constant 0 : i32
      %cond3A_122 = arith.cmpi ne, %convert_element_type3A_120, %cond3A_121 : i32
      scf.if %cond3A_122 {
        "tpu.region"() ({
          %run_scoped3A = tpu.sem_alloc : memref<!tpu.dma_semaphore, #tpu.memory_space<semaphore_mem>>
          %dma_start3A_181 = arith.constant 0 : i32
          %dma_start3A_182 = tpu.memref_slice %arg25[%dma_start3A_181] : memref<10000xf32, #tpu.memory_space<vmem_shared>> -> memref<10000xf32, #tpu.memory_space<vmem_shared>>
          tpu.enqueue_indirect_dma source(%arg23 : memref<64xf32, #tpu.memory_space<vmem>>) target(%dma_start3A_182 : memref<10000xf32, #tpu.memory_space<vmem_shared>>) offsets(%arg11 : memref<64xi32, #tpu.memory_space<vmem>>) semaphore(%run_scoped3A : memref<!tpu.dma_semaphore, #tpu.memory_space<semaphore_mem>>) {add = true}
          %dma_wait3A_183 = arith.constant 0 : i32
          %dma_wait3A_184 = tpu.memref_slice %arg25[%dma_wait3A_183] : memref<10000xf32, #tpu.memory_space<vmem_shared>> -> memref<10000xf32, #tpu.memory_space<vmem_shared>>
          tpu.wait_indirect_dma semaphore(%run_scoped3A : memref<!tpu.dma_semaphore, #tpu.memory_space<semaphore_mem>>) src(%arg23 : memref<64xf32, #tpu.memory_space<vmem>>) dst(%dma_wait3A_184 : memref<10000xf32, #tpu.memory_space<vmem_shared>>)
          tpu.yield
        }) : () -> ()
      } else {
      }
      %add3A_123 = arith.constant 2 : i32
      %add3A_124 = arith.addi %add3A_84, %add3A_123 : i32
      %lt3A_125 = arith.constant 312 : i32
      %lt3A_126 = arith.cmpi slt, %add3A_124, %lt3A_125 : i32
      %convert_element_type3A_127 = arith.extui %lt3A_126 : i1 to i32
      %cond3A_128 = arith.constant 0 : i32
      %cond3A_129 = arith.cmpi ne, %convert_element_type3A_127, %cond3A_128 : i32
      scf.if %cond3A_129 {
        %mul3A_181 = arith.constant 64 : i32
        %mul3A_182 = arith.muli %add3A_94, %mul3A_181 : i32
        %dma_start3A_183 = tpu.memref_slice %arg5[%mul3A_182] : memref<320000xi32, #tpu.memory_space<hbm>> -> memref<64xi32, #tpu.memory_space<hbm>>
        %dma_start3A_184 = tpu.memref_slice %arg5[%mul3A_182] : memref<320000xi32, #tpu.memory_space<hbm>> -> memref<64xi32, #tpu.memory_space<hbm>>
        tpu.enqueue_dma source(%dma_start3A_184 : memref<64xi32, #tpu.memory_space<hbm>>) target(%arg12 : memref<64xi32, #tpu.memory_space<vmem>>) target_semaphore(%arg26 : memref<!tpu.dma_semaphore, #tpu.memory_space<semaphore_mem>>)
        %dma_start3A_185 = tpu.memref_slice %arg6[%mul3A_182] : memref<320000xi32, #tpu.memory_space<hbm>> -> memref<64xi32, #tpu.memory_space<hbm>>
        %dma_start3A_186 = tpu.memref_slice %arg6[%mul3A_182] : memref<320000xi32, #tpu.memory_space<hbm>> -> memref<64xi32, #tpu.memory_space<hbm>>
        tpu.enqueue_dma source(%dma_start3A_186 : memref<64xi32, #tpu.memory_space<hbm>>) target(%arg11 : memref<64xi32, #tpu.memory_space<vmem>>) target_semaphore(%arg26 : memref<!tpu.dma_semaphore, #tpu.memory_space<semaphore_mem>>)
      } else {
      }
      %mul3A_130 = arith.constant 2 : i32
      %mul3A_131 = arith.muli %mul3A_130, %scan3A_79 : i32
      %add3A_132 = arith.constant 1 : i32
      %add3A_133 = arith.addi %mul3A_131, %add3A_132 : i32
      %add3A_134 = arith.constant 1 : i32
      %add3A_135 = arith.addi %add3A_133, %add3A_134 : i32
      %mul3A_136 = arith.constant 16 : i32
      %mul3A_137 = arith.muli %add3A_135, %mul3A_136 : i32
      %add3A_138 = arith.addi %mul3A_137, %arg1 : i32
      %add3A_139 = arith.constant 2 : i32
      %add3A_140 = arith.addi %add3A_133, %add3A_139 : i32
      %mul3A_141 = arith.constant 16 : i32
      %mul3A_142 = arith.muli %add3A_140, %mul3A_141 : i32
      %add3A_143 = arith.addi %mul3A_142, %arg1 : i32
      %add3A_144 = arith.constant 1 : i32
      %add3A_145 = arith.addi %add3A_133, %add3A_144 : i32
      %lt3A_146 = arith.constant 312 : i32
      %lt3A_147 = arith.cmpi slt, %add3A_145, %lt3A_146 : i32
      %convert_element_type3A_148 = arith.extui %lt3A_147 : i1 to i32
      %cond3A_149 = arith.constant 0 : i32
      %cond3A_150 = arith.cmpi ne, %convert_element_type3A_148, %cond3A_149 : i32
      scf.if %cond3A_150 {
        %dma_wait3A_181 = arith.constant 0 : i32
        %dma_wait3A_182 = tpu.memref_slice %arg5[%dma_wait3A_181] : memref<320000xi32, #tpu.memory_space<hbm>> -> memref<64xi32, #tpu.memory_space<hbm>>
        %dma_wait3A_183 = arith.constant 0 : i32
        %dma_wait3A_184 = tpu.memref_slice %arg5[%dma_wait3A_183] : memref<320000xi32, #tpu.memory_space<hbm>> -> memref<64xi32, #tpu.memory_space<hbm>>
        tpu.wait_dma2 semaphore(%arg26 : memref<!tpu.dma_semaphore, #tpu.memory_space<semaphore_mem>>) src(%dma_wait3A_184 : memref<64xi32, #tpu.memory_space<hbm>>) dst(%arg12 : memref<64xi32, #tpu.memory_space<vmem>>)
        %dma_wait3A_185 = arith.constant 0 : i32
        %dma_wait3A_186 = tpu.memref_slice %arg6[%dma_wait3A_185] : memref<320000xi32, #tpu.memory_space<hbm>> -> memref<64xi32, #tpu.memory_space<hbm>>
        %dma_wait3A_187 = arith.constant 0 : i32
        %dma_wait3A_188 = tpu.memref_slice %arg6[%dma_wait3A_187] : memref<320000xi32, #tpu.memory_space<hbm>> -> memref<64xi32, #tpu.memory_space<hbm>>
        tpu.wait_dma2 semaphore(%arg26 : memref<!tpu.dma_semaphore, #tpu.memory_space<semaphore_mem>>) src(%dma_wait3A_188 : memref<64xi32, #tpu.memory_space<hbm>>) dst(%arg11 : memref<64xi32, #tpu.memory_space<vmem>>)
        %scan3A_189 = arith.constant 0 : i32
        %scan3A_190 = arith.constant 0 : i32
        %scan3A_191 = arith.constant 4 : i32
        %scan3A_192 = arith.addi %scan3A_190, %scan3A_191 : i32
        %scan3A_193 = arith.constant 1 : i32
        %scan3A_194 = scf.for %scan3A_209 = %scan3A_190 to %scan3A_192 step %scan3A_193 iter_args(%scan3A_210 = %scan3A_189) -> (i32)  : i32 {
          %mul3A_211 = arith.constant 16 : i32
          %mul3A_212 = arith.muli %scan3A_209, %mul3A_211 : i32
          %get3A = arith.index_cast %mul3A_212 : i32 to index
          %get3A_213 = tpu.vector_load %arg12[%get3A] {strides = array<i32>} : memref<64xi32, #tpu.memory_space<vmem>>, vector<16xi32>,
          %get3A_214 = vector.shape_cast %get3A_213 : vector<16xi32> to vector<16xi32>
          %add3A_215 = vector.broadcast %mul3A_17 : i32 to vector<16xi32>
          %add3A_216 = arith.addi %get3A_214, %add3A_215 : vector<16xi32>
          %swap3A = arith.index_cast %mul3A_212 : i32 to index
          %swap3A_217 = tpu.vector_load %arg12[%swap3A] {strides = array<i32>} : memref<64xi32, #tpu.memory_space<vmem>>, vector<16xi32>,
          %swap3A_218 = vector.shape_cast %swap3A_217 : vector<16xi32> to vector<16xi32>
          %swap3A_219 = vector.shape_cast %add3A_216 : vector<16xi32> to vector<16xi32>
          tpu.vector_store %arg12[%swap3A], %swap3A_219 {strides = array<i32>} : memref<64xi32, #tpu.memory_space<vmem>>, vector<16xi32>,
          %get3A_220 = arith.index_cast %mul3A_212 : i32 to index
          %get3A_221 = tpu.vector_load %arg11[%get3A_220] {strides = array<i32>} : memref<64xi32, #tpu.memory_space<vmem>>, vector<16xi32>,
          %get3A_222 = vector.shape_cast %get3A_221 : vector<16xi32> to vector<16xi32>
          %add3A_223 = vector.broadcast %mul3A_17 : i32 to vector<16xi32>
          %add3A_224 = arith.addi %get3A_222, %add3A_223 : vector<16xi32>
          %swap3A_225 = arith.index_cast %mul3A_212 : i32 to index
          %swap3A_226 = tpu.vector_load %arg13[%swap3A_225] {strides = array<i32>} : memref<64xi32, #tpu.memory_space<vmem>>, vector<16xi32>,
          %swap3A_227 = vector.shape_cast %swap3A_226 : vector<16xi32> to vector<16xi32>
          %swap3A_228 = vector.shape_cast %add3A_224 : vector<16xi32> to vector<16xi32>
          tpu.vector_store %arg13[%swap3A_225], %swap3A_228 {strides = array<i32>} : memref<64xi32, #tpu.memory_space<vmem>>, vector<16xi32>,
          %scan3A_229 = arith.constant 0 : i32
          scf.yield %scan3A_229 : i32
        }
        %scan3A_195 = arith.constant 4 : i32
        %mul3A_196 = arith.constant 64 : i32
        %mul3A_197 = arith.muli %add3A_138, %mul3A_196 : i32
        %dma_start3A_198 = arith.constant 0 : i32
        %dma_start3A_199 = arith.constant 0 : i32
        %dma_start3A_200 = tpu.memref_slice %arg2[%dma_start3A_198, %dma_start3A_199] : memref<20000x128xf32, #tpu.memory_space<hbm>> -> memref<20000x128xf32, #tpu.memory_space<hbm>>
        tpu.enqueue_indirect_dma source(%dma_start3A_200 : memref<20000x128xf32, #tpu.memory_space<hbm>>) target(%arg17 : memref<64x128xf32, #tpu.memory_space<vmem>>) offsets(%arg12 : memref<64xi32, #tpu.memory_space<vmem>>) semaphore(%arg28 : memref<!tpu.dma_semaphore, #tpu.memory_space<semaphore_mem>>)
        %dma_start3A_201 = arith.constant 0 : i32
        %dma_start3A_202 = arith.constant 0 : i32
        %dma_start3A_203 = tpu.memref_slice %arg3[%dma_start3A_201, %dma_start3A_202] : memref<20000x128xf32, #tpu.memory_space<hbm>> -> memref<20000x128xf32, #tpu.memory_space<hbm>>
        tpu.enqueue_indirect_dma source(%dma_start3A_203 : memref<20000x128xf32, #tpu.memory_space<hbm>>) target(%arg18 : memref<64x128xf32, #tpu.memory_space<vmem>>) offsets(%arg13 : memref<64xi32, #tpu.memory_space<vmem>>) semaphore(%arg29 : memref<!tpu.dma_semaphore, #tpu.memory_space<semaphore_mem>>)
        %add3A_204 = arith.addi %mul3A_15, %mul3A_197 : i32
        %dma_start3A_205 = arith.constant 0 : i32
        %dma_start3A_206 = tpu.memref_slice %arg4[%add3A_204, %dma_start3A_205] : memref<640000x128xf32, #tpu.memory_space<hbm>> -> memref<64x128xf32, #tpu.memory_space<hbm>>
        %dma_start3A_207 = arith.constant 0 : i32
        %dma_start3A_208 = tpu.memref_slice %arg4[%add3A_204, %dma_start3A_207] : memref<640000x128xf32, #tpu.memory_space<hbm>> -> memref<64x128xf32, #tpu.memory_space<hbm>>
        tpu.enqueue_dma source(%dma_start3A_208 : memref<64x128xf32, #tpu.memory_space<hbm>>) target(%arg19 : memref<64x128xf32, #tpu.memory_space<vmem>>) target_semaphore(%arg30 : memref<!tpu.dma_semaphore, #tpu.memory_space<semaphore_mem>>)
      } else {
      }
      %dma_wait3A_151 = arith.constant 0 : i32
      %dma_wait3A_152 = arith.constant 0 : i32
      %dma_wait3A_153 = tpu.memref_slice %arg2[%dma_wait3A_151, %dma_wait3A_152] : memref<20000x128xf32, #tpu.memory_space<hbm>> -> memref<20000x128xf32, #tpu.memory_space<hbm>>
      tpu.wait_indirect_dma semaphore(%arg31 : memref<!tpu.dma_semaphore, #tpu.memory_space<semaphore_mem>>) src(%dma_wait3A_153 : memref<20000x128xf32, #tpu.memory_space<hbm>>) dst(%arg20 : memref<64x128xf32, #tpu.memory_space<vmem>>)
      %dma_wait3A_154 = arith.constant 0 : i32
      %dma_wait3A_155 = arith.constant 0 : i32
      %dma_wait3A_156 = tpu.memref_slice %arg3[%dma_wait3A_154, %dma_wait3A_155] : memref<20000x128xf32, #tpu.memory_space<hbm>> -> memref<20000x128xf32, #tpu.memory_space<hbm>>
      tpu.wait_indirect_dma semaphore(%arg32 : memref<!tpu.dma_semaphore, #tpu.memory_space<semaphore_mem>>) src(%dma_wait3A_156 : memref<20000x128xf32, #tpu.memory_space<hbm>>) dst(%arg21 : memref<64x128xf32, #tpu.memory_space<vmem>>)
      %dma_wait3A_157 = arith.constant 0 : i32
      %dma_wait3A_158 = tpu.memref_slice %arg4[%mul3A_15, %dma_wait3A_157] : memref<640000x128xf32, #tpu.memory_space<hbm>> -> memref<64x128xf32, #tpu.memory_space<hbm>>
      %dma_wait3A_159 = arith.constant 0 : i32
      %dma_wait3A_160 = tpu.memref_slice %arg4[%mul3A_15, %dma_wait3A_159] : memref<640000x128xf32, #tpu.memory_space<hbm>> -> memref<64x128xf32, #tpu.memory_space<hbm>>
      tpu.wait_dma2 semaphore(%arg33 : memref<!tpu.dma_semaphore, #tpu.memory_space<semaphore_mem>>) src(%dma_wait3A_160 : memref<64x128xf32, #tpu.memory_space<hbm>>) dst(%arg22 : memref<64x128xf32, #tpu.memory_space<vmem>>)
      %scan3A_161 = arith.constant 0 : i32
      %scan3A_162 = arith.constant 0 : i32
      %scan3A_163 = arith.constant 64 : i32
      %scan3A_164 = arith.addi %scan3A_162, %scan3A_163 : i32
      %scan3A_165 = arith.constant 1 : i32
      %scan3A_166 = scf.for %scan3A_181 = %scan3A_162 to %scan3A_164 step %scan3A_165 iter_args(%scan3A_182 = %scan3A_161) -> (i32)  : i32 {
        %get3A = arith.index_cast %scan3A_181 : i32 to index
        %get3A_183 = arith.constant 0 : index
        %get3A_184 = tpu.vector_load %arg20[%get3A, %get3A_183] {strides = array<i32>} : memref<64x128xf32, #tpu.memory_space<vmem>>, vector<1x16xf32>,
        %get3A_185 = vector.shape_cast %get3A_184 : vector<1x16xf32> to vector<16xf32>
        %get3A_186 = arith.index_cast %scan3A_181 : i32 to index
        %get3A_187 = arith.constant 0 : index
        %get3A_188 = tpu.vector_load %arg21[%get3A_186, %get3A_187] {strides = array<i32>} : memref<64x128xf32, #tpu.memory_space<vmem>>, vector<1x16xf32>,
        %get3A_189 = vector.shape_cast %get3A_188 : vector<1x16xf32> to vector<16xf32>
        %add3A_190 = arith.addf %get3A_185, %get3A_189 : vector<16xf32>
        %get3A_191 = arith.index_cast %scan3A_181 : i32 to index
        %get3A_192 = arith.constant 0 : index
        %get3A_193 = tpu.vector_load %arg22[%get3A_191, %get3A_192] {strides = array<i32>} : memref<64x128xf32, #tpu.memory_space<vmem>>, vector<1x16xf32>,
        %get3A_194 = vector.shape_cast %get3A_193 : vector<1x16xf32> to vector<16xf32>
        %add3A_195 = arith.addf %add3A_190, %get3A_194 : vector<16xf32>
        %max3A = arith.constant 0.000000e+00 : f32
        %max3A_196 = vector.broadcast %max3A : f32 to vector<16xf32>
        %max3A_197 = arith.maximumf %add3A_195, %max3A_196 : vector<16xf32>
        %swap3A = arith.index_cast %scan3A_181 : i32 to index
        %swap3A_198 = arith.constant 0 : index
        %swap3A_199 = tpu.vector_load %arg22[%swap3A, %swap3A_198] {strides = array<i32>} : memref<64x128xf32, #tpu.memory_space<vmem>>, vector<1x16xf32>,
        %swap3A_200 = vector.shape_cast %swap3A_199 : vector<1x16xf32> to vector<16xf32>
        %swap3A_201 = vector.shape_cast %max3A_197 : vector<16xf32> to vector<1x16xf32>
        tpu.vector_store %arg22[%swap3A, %swap3A_198], %swap3A_201 {strides = array<i32>} : memref<64x128xf32, #tpu.memory_space<vmem>>, vector<1x16xf32>,
        %get3A_202 = arith.index_cast %scan3A_181 : i32 to index
        %get3A_203 = arith.constant 16 : index
        %get3A_204 = tpu.vector_load %arg20[%get3A_202, %get3A_203] {strides = array<i32>} : memref<64x128xf32, #tpu.memory_space<vmem>>, vector<1x16xf32>,
        %get3A_205 = vector.shape_cast %get3A_204 : vector<1x16xf32> to vector<16xf32>
        %get3A_206 = arith.index_cast %scan3A_181 : i32 to index
        %get3A_207 = arith.constant 16 : index
        %get3A_208 = tpu.vector_load %arg21[%get3A_206, %get3A_207] {strides = array<i32>} : memref<64x128xf32, #tpu.memory_space<vmem>>, vector<1x16xf32>,
        %get3A_209 = vector.shape_cast %get3A_208 : vector<1x16xf32> to vector<16xf32>
        %add3A_210 = arith.addf %get3A_205, %get3A_209 : vector<16xf32>
        %get3A_211 = arith.index_cast %scan3A_181 : i32 to index
        %get3A_212 = arith.constant 16 : index
        %get3A_213 = tpu.vector_load %arg22[%get3A_211, %get3A_212] {strides = array<i32>} : memref<64x128xf32, #tpu.memory_space<vmem>>, vector<1x16xf32>,
        %get3A_214 = vector.shape_cast %get3A_213 : vector<1x16xf32> to vector<16xf32>
        %add3A_215 = arith.addf %add3A_210, %get3A_214 : vector<16xf32>
        %max3A_216 = arith.constant 0.000000e+00 : f32
        %max3A_217 = vector.broadcast %max3A_216 : f32 to vector<16xf32>
        %max3A_218 = arith.maximumf %add3A_215, %max3A_217 : vector<16xf32>
        %swap3A_219 = arith.index_cast %scan3A_181 : i32 to index
        %swap3A_220 = arith.constant 16 : index
        %swap3A_221 = tpu.vector_load %arg22[%swap3A_219, %swap3A_220] {strides = array<i32>} : memref<64x128xf32, #tpu.memory_space<vmem>>, vector<1x16xf32>,
        %swap3A_222 = vector.shape_cast %swap3A_221 : vector<1x16xf32> to vector<16xf32>
        %swap3A_223 = vector.shape_cast %max3A_218 : vector<16xf32> to vector<1x16xf32>
        tpu.vector_store %arg22[%swap3A_219, %swap3A_220], %swap3A_223 {strides = array<i32>} : memref<64x128xf32, #tpu.memory_space<vmem>>, vector<1x16xf32>,
        %get3A_224 = arith.index_cast %scan3A_181 : i32 to index
        %get3A_225 = arith.constant 32 : index
        %get3A_226 = tpu.vector_load %arg20[%get3A_224, %get3A_225] {strides = array<i32>} : memref<64x128xf32, #tpu.memory_space<vmem>>, vector<1x16xf32>,
        %get3A_227 = vector.shape_cast %get3A_226 : vector<1x16xf32> to vector<16xf32>
        %get3A_228 = arith.index_cast %scan3A_181 : i32 to index
        %get3A_229 = arith.constant 32 : index
        %get3A_230 = tpu.vector_load %arg21[%get3A_228, %get3A_229] {strides = array<i32>} : memref<64x128xf32, #tpu.memory_space<vmem>>, vector<1x16xf32>,
        %get3A_231 = vector.shape_cast %get3A_230 : vector<1x16xf32> to vector<16xf32>
        %add3A_232 = arith.addf %get3A_227, %get3A_231 : vector<16xf32>
        %get3A_233 = arith.index_cast %scan3A_181 : i32 to index
        %get3A_234 = arith.constant 32 : index
        %get3A_235 = tpu.vector_load %arg22[%get3A_233, %get3A_234] {strides = array<i32>} : memref<64x128xf32, #tpu.memory_space<vmem>>, vector<1x16xf32>,
        %get3A_236 = vector.shape_cast %get3A_235 : vector<1x16xf32> to vector<16xf32>
        %add3A_237 = arith.addf %add3A_232, %get3A_236 : vector<16xf32>
        %max3A_238 = arith.constant 0.000000e+00 : f32
        %max3A_239 = vector.broadcast %max3A_238 : f32 to vector<16xf32>
        %max3A_240 = arith.maximumf %add3A_237, %max3A_239 : vector<16xf32>
        %swap3A_241 = arith.index_cast %scan3A_181 : i32 to index
        %swap3A_242 = arith.constant 32 : index
        %swap3A_243 = tpu.vector_load %arg22[%swap3A_241, %swap3A_242] {strides = array<i32>} : memref<64x128xf32, #tpu.memory_space<vmem>>, vector<1x16xf32>,
        %swap3A_244 = vector.shape_cast %swap3A_243 : vector<1x16xf32> to vector<16xf32>
        %swap3A_245 = vector.shape_cast %max3A_240 : vector<16xf32> to vector<1x16xf32>
        tpu.vector_store %arg22[%swap3A_241, %swap3A_242], %swap3A_245 {strides = array<i32>} : memref<64x128xf32, #tpu.memory_space<vmem>>, vector<1x16xf32>,
        %get3A_246 = arith.index_cast %scan3A_181 : i32 to index
        %get3A_247 = arith.constant 48 : index
        %get3A_248 = tpu.vector_load %arg20[%get3A_246, %get3A_247] {strides = array<i32>} : memref<64x128xf32, #tpu.memory_space<vmem>>, vector<1x16xf32>,
        %get3A_249 = vector.shape_cast %get3A_248 : vector<1x16xf32> to vector<16xf32>
        %get3A_250 = arith.index_cast %scan3A_181 : i32 to index
        %get3A_251 = arith.constant 48 : index
        %get3A_252 = tpu.vector_load %arg21[%get3A_250, %get3A_251] {strides = array<i32>} : memref<64x128xf32, #tpu.memory_space<vmem>>, vector<1x16xf32>,
        %get3A_253 = vector.shape_cast %get3A_252 : vector<1x16xf32> to vector<16xf32>
        %add3A_254 = arith.addf %get3A_249, %get3A_253 : vector<16xf32>
        %get3A_255 = arith.index_cast %scan3A_181 : i32 to index
        %get3A_256 = arith.constant 48 : index
        %get3A_257 = tpu.vector_load %arg22[%get3A_255, %get3A_256] {strides = array<i32>} : memref<64x128xf32, #tpu.memory_space<vmem>>, vector<1x16xf32>,
        %get3A_258 = vector.shape_cast %get3A_257 : vector<1x16xf32> to vector<16xf32>
        %add3A_259 = arith.addf %add3A_254, %get3A_258 : vector<16xf32>
        %max3A_260 = arith.constant 0.000000e+00 : f32
        %max3A_261 = vector.broadcast %max3A_260 : f32 to vector<16xf32>
        %max3A_262 = arith.maximumf %add3A_259, %max3A_261 : vector<16xf32>
        %swap3A_263 = arith.index_cast %scan3A_181 : i32 to index
        %swap3A_264 = arith.constant 48 : index
        %swap3A_265 = tpu.vector_load %arg22[%swap3A_263, %swap3A_264] {strides = array<i32>} : memref<64x128xf32, #tpu.memory_space<vmem>>, vector<1x16xf32>,
        %swap3A_266 = vector.shape_cast %swap3A_265 : vector<1x16xf32> to vector<16xf32>
        %swap3A_267 = vector.shape_cast %max3A_262 : vector<16xf32> to vector<1x16xf32>
        tpu.vector_store %arg22[%swap3A_263, %swap3A_264], %swap3A_267 {strides = array<i32>} : memref<64x128xf32, #tpu.memory_space<vmem>>, vector<1x16xf32>,
        %get3A_268 = arith.index_cast %scan3A_181 : i32 to index
        %get3A_269 = arith.constant 64 : index
        %get3A_270 = tpu.vector_load %arg20[%get3A_268, %get3A_269] {strides = array<i32>} : memref<64x128xf32, #tpu.memory_space<vmem>>, vector<1x16xf32>,
        %get3A_271 = vector.shape_cast %get3A_270 : vector<1x16xf32> to vector<16xf32>
        %get3A_272 = arith.index_cast %scan3A_181 : i32 to index
        %get3A_273 = arith.constant 64 : index
        %get3A_274 = tpu.vector_load %arg21[%get3A_272, %get3A_273] {strides = array<i32>} : memref<64x128xf32, #tpu.memory_space<vmem>>, vector<1x16xf32>,
        %get3A_275 = vector.shape_cast %get3A_274 : vector<1x16xf32> to vector<16xf32>
        %add3A_276 = arith.addf %get3A_271, %get3A_275 : vector<16xf32>
        %get3A_277 = arith.index_cast %scan3A_181 : i32 to index
        %get3A_278 = arith.constant 64 : index
        %get3A_279 = tpu.vector_load %arg22[%get3A_277, %get3A_278] {strides = array<i32>} : memref<64x128xf32, #tpu.memory_space<vmem>>, vector<1x16xf32>,
        %get3A_280 = vector.shape_cast %get3A_279 : vector<1x16xf32> to vector<16xf32>
        %add3A_281 = arith.addf %add3A_276, %get3A_280 : vector<16xf32>
        %max3A_282 = arith.constant 0.000000e+00 : f32
        %max3A_283 = vector.broadcast %max3A_282 : f32 to vector<16xf32>
        %max3A_284 = arith.maximumf %add3A_281, %max3A_283 : vector<16xf32>
        %swap3A_285 = arith.index_cast %scan3A_181 : i32 to index
        %swap3A_286 = arith.constant 64 : index
        %swap3A_287 = tpu.vector_load %arg22[%swap3A_285, %swap3A_286] {strides = array<i32>} : memref<64x128xf32, #tpu.memory_space<vmem>>, vector<1x16xf32>,
        %swap3A_288 = vector.shape_cast %swap3A_287 : vector<1x16xf32> to vector<16xf32>
        %swap3A_289 = vector.shape_cast %max3A_284 : vector<16xf32> to vector<1x16xf32>
        tpu.vector_store %arg22[%swap3A_285, %swap3A_286], %swap3A_289 {strides = array<i32>} : memref<64x128xf32, #tpu.memory_space<vmem>>, vector<1x16xf32>,
        %get3A_290 = arith.index_cast %scan3A_181 : i32 to index
        %get3A_291 = arith.constant 80 : index
        %get3A_292 = tpu.vector_load %arg20[%get3A_290, %get3A_291] {strides = array<i32>} : memref<64x128xf32, #tpu.memory_space<vmem>>, vector<1x16xf32>,
        %get3A_293 = vector.shape_cast %get3A_292 : vector<1x16xf32> to vector<16xf32>
        %get3A_294 = arith.index_cast %scan3A_181 : i32 to index
        %get3A_295 = arith.constant 80 : index
        %get3A_296 = tpu.vector_load %arg21[%get3A_294, %get3A_295] {strides = array<i32>} : memref<64x128xf32, #tpu.memory_space<vmem>>, vector<1x16xf32>,
        %get3A_297 = vector.shape_cast %get3A_296 : vector<1x16xf32> to vector<16xf32>
        %add3A_298 = arith.addf %get3A_293, %get3A_297 : vector<16xf32>
        %get3A_299 = arith.index_cast %scan3A_181 : i32 to index
        %get3A_300 = arith.constant 80 : index
        %get3A_301 = tpu.vector_load %arg22[%get3A_299, %get3A_300] {strides = array<i32>} : memref<64x128xf32, #tpu.memory_space<vmem>>, vector<1x16xf32>,
        %get3A_302 = vector.shape_cast %get3A_301 : vector<1x16xf32> to vector<16xf32>
        %add3A_303 = arith.addf %add3A_298, %get3A_302 : vector<16xf32>
        %max3A_304 = arith.constant 0.000000e+00 : f32
        %max3A_305 = vector.broadcast %max3A_304 : f32 to vector<16xf32>
        %max3A_306 = arith.maximumf %add3A_303, %max3A_305 : vector<16xf32>
        %swap3A_307 = arith.index_cast %scan3A_181 : i32 to index
        %swap3A_308 = arith.constant 80 : index
        %swap3A_309 = tpu.vector_load %arg22[%swap3A_307, %swap3A_308] {strides = array<i32>} : memref<64x128xf32, #tpu.memory_space<vmem>>, vector<1x16xf32>,
        %swap3A_310 = vector.shape_cast %swap3A_309 : vector<1x16xf32> to vector<16xf32>
        %swap3A_311 = vector.shape_cast %max3A_306 : vector<16xf32> to vector<1x16xf32>
        tpu.vector_store %arg22[%swap3A_307, %swap3A_308], %swap3A_311 {strides = array<i32>} : memref<64x128xf32, #tpu.memory_space<vmem>>, vector<1x16xf32>,
        %get3A_312 = arith.index_cast %scan3A_181 : i32 to index
        %get3A_313 = arith.constant 96 : index
        %get3A_314 = tpu.vector_load %arg20[%get3A_312, %get3A_313] {strides = array<i32>} : memref<64x128xf32, #tpu.memory_space<vmem>>, vector<1x16xf32>,
        %get3A_315 = vector.shape_cast %get3A_314 : vector<1x16xf32> to vector<16xf32>
        %get3A_316 = arith.index_cast %scan3A_181 : i32 to index
        %get3A_317 = arith.constant 96 : index
        %get3A_318 = tpu.vector_load %arg21[%get3A_316, %get3A_317] {strides = array<i32>} : memref<64x128xf32, #tpu.memory_space<vmem>>, vector<1x16xf32>,
        %get3A_319 = vector.shape_cast %get3A_318 : vector<1x16xf32> to vector<16xf32>
        %add3A_320 = arith.addf %get3A_315, %get3A_319 : vector<16xf32>
        %get3A_321 = arith.index_cast %scan3A_181 : i32 to index
        %get3A_322 = arith.constant 96 : index
        %get3A_323 = tpu.vector_load %arg22[%get3A_321, %get3A_322] {strides = array<i32>} : memref<64x128xf32, #tpu.memory_space<vmem>>, vector<1x16xf32>,
        %get3A_324 = vector.shape_cast %get3A_323 : vector<1x16xf32> to vector<16xf32>
        %add3A_325 = arith.addf %add3A_320, %get3A_324 : vector<16xf32>
        %max3A_326 = arith.constant 0.000000e+00 : f32
        %max3A_327 = vector.broadcast %max3A_326 : f32 to vector<16xf32>
        %max3A_328 = arith.maximumf %add3A_325, %max3A_327 : vector<16xf32>
        %swap3A_329 = arith.index_cast %scan3A_181 : i32 to index
        %swap3A_330 = arith.constant 96 : index
        %swap3A_331 = tpu.vector_load %arg22[%swap3A_329, %swap3A_330] {strides = array<i32>} : memref<64x128xf32, #tpu.memory_space<vmem>>, vector<1x16xf32>,
        %swap3A_332 = vector.shape_cast %swap3A_331 : vector<1x16xf32> to vector<16xf32>
        %swap3A_333 = vector.shape_cast %max3A_328 : vector<16xf32> to vector<1x16xf32>
        tpu.vector_store %arg22[%swap3A_329, %swap3A_330], %swap3A_333 {strides = array<i32>} : memref<64x128xf32, #tpu.memory_space<vmem>>, vector<1x16xf32>,
        %get3A_334 = arith.index_cast %scan3A_181 : i32 to index
        %get3A_335 = arith.constant 112 : index
        %get3A_336 = tpu.vector_load %arg20[%get3A_334, %get3A_335] {strides = array<i32>} : memref<64x128xf32, #tpu.memory_space<vmem>>, vector<1x16xf32>,
        %get3A_337 = vector.shape_cast %get3A_336 : vector<1x16xf32> to vector<16xf32>
        %get3A_338 = arith.index_cast %scan3A_181 : i32 to index
        %get3A_339 = arith.constant 112 : index
        %get3A_340 = tpu.vector_load %arg21[%get3A_338, %get3A_339] {strides = array<i32>} : memref<64x128xf32, #tpu.memory_space<vmem>>, vector<1x16xf32>,
        %get3A_341 = vector.shape_cast %get3A_340 : vector<1x16xf32> to vector<16xf32>
        %add3A_342 = arith.addf %get3A_337, %get3A_341 : vector<16xf32>
        %get3A_343 = arith.index_cast %scan3A_181 : i32 to index
        %get3A_344 = arith.constant 112 : index
        %get3A_345 = tpu.vector_load %arg22[%get3A_343, %get3A_344] {strides = array<i32>} : memref<64x128xf32, #tpu.memory_space<vmem>>, vector<1x16xf32>,
        %get3A_346 = vector.shape_cast %get3A_345 : vector<1x16xf32> to vector<16xf32>
        %add3A_347 = arith.addf %add3A_342, %get3A_346 : vector<16xf32>
        %max3A_348 = arith.constant 0.000000e+00 : f32
        %max3A_349 = vector.broadcast %max3A_348 : f32 to vector<16xf32>
        %max3A_350 = arith.maximumf %add3A_347, %max3A_349 : vector<16xf32>
        %swap3A_351 = arith.index_cast %scan3A_181 : i32 to index
        %swap3A_352 = arith.constant 112 : index
        %swap3A_353 = tpu.vector_load %arg22[%swap3A_351, %swap3A_352] {strides = array<i32>} : memref<64x128xf32, #tpu.memory_space<vmem>>, vector<1x16xf32>,
        %swap3A_354 = vector.shape_cast %swap3A_353 : vector<1x16xf32> to vector<16xf32>
        %swap3A_355 = vector.shape_cast %max3A_350 : vector<16xf32> to vector<1x16xf32>
        tpu.vector_store %arg22[%swap3A_351, %swap3A_352], %swap3A_355 {strides = array<i32>} : memref<64x128xf32, #tpu.memory_space<vmem>>, vector<1x16xf32>,
        %scan3A_356 = arith.constant 0 : i32
        scf.yield %scan3A_356 : i32
      }
      %scan3A_167 = arith.constant 64 : i32
      "tpu.region"() ({
        %run_scoped3A = tpu.sem_alloc : memref<!tpu.dma_semaphore, #tpu.memory_space<semaphore_mem>>
        %dma_start3A_181 = arith.constant 0 : i32
        %dma_start3A_182 = arith.constant 0 : i32
        %dma_start3A_183 = tpu.memref_slice %arg24[%dma_start3A_181, %dma_start3A_182] : memref<10000x128xf32, #tpu.memory_space<vmem_shared>> -> memref<10000x128xf32, #tpu.memory_space<vmem_shared>>
        tpu.enqueue_indirect_dma source(%arg22 : memref<64x128xf32, #tpu.memory_space<vmem>>) target(%dma_start3A_183 : memref<10000x128xf32, #tpu.memory_space<vmem_shared>>) offsets(%arg14 : memref<64xi32, #tpu.memory_space<vmem>>) semaphore(%run_scoped3A : memref<!tpu.dma_semaphore, #tpu.memory_space<semaphore_mem>>) {add = true}
        %dma_wait3A_184 = arith.constant 0 : i32
        %dma_wait3A_185 = arith.constant 0 : i32
        %dma_wait3A_186 = tpu.memref_slice %arg24[%dma_wait3A_184, %dma_wait3A_185] : memref<10000x128xf32, #tpu.memory_space<vmem_shared>> -> memref<10000x128xf32, #tpu.memory_space<vmem_shared>>
        tpu.wait_indirect_dma semaphore(%run_scoped3A : memref<!tpu.dma_semaphore, #tpu.memory_space<semaphore_mem>>) src(%arg22 : memref<64x128xf32, #tpu.memory_space<vmem>>) dst(%dma_wait3A_186 : memref<10000x128xf32, #tpu.memory_space<vmem_shared>>)
        tpu.yield
      }) : () -> ()
      %eq3A_168 = arith.constant 0 : i32
      %eq3A_169 = arith.cmpi eq, %arg0, %eq3A_168 : i32
      %convert_element_type3A_170 = arith.extui %eq3A_169 : i1 to i32
      %cond3A_171 = arith.constant 0 : i32
      %cond3A_172 = arith.cmpi ne, %convert_element_type3A_170, %cond3A_171 : i32
      scf.if %cond3A_172 {
        "tpu.region"() ({
          %run_scoped3A = tpu.sem_alloc : memref<!tpu.dma_semaphore, #tpu.memory_space<semaphore_mem>>
          %dma_start3A_181 = arith.constant 0 : i32
          %dma_start3A_182 = tpu.memref_slice %arg25[%dma_start3A_181] : memref<10000xf32, #tpu.memory_space<vmem_shared>> -> memref<10000xf32, #tpu.memory_space<vmem_shared>>
          tpu.enqueue_indirect_dma source(%arg23 : memref<64xf32, #tpu.memory_space<vmem>>) target(%dma_start3A_182 : memref<10000xf32, #tpu.memory_space<vmem_shared>>) offsets(%arg14 : memref<64xi32, #tpu.memory_space<vmem>>) semaphore(%run_scoped3A : memref<!tpu.dma_semaphore, #tpu.memory_space<semaphore_mem>>) {add = true}
          %dma_wait3A_183 = arith.constant 0 : i32
          %dma_wait3A_184 = tpu.memref_slice %arg25[%dma_wait3A_183] : memref<10000xf32, #tpu.memory_space<vmem_shared>> -> memref<10000xf32, #tpu.memory_space<vmem_shared>>
          tpu.wait_indirect_dma semaphore(%run_scoped3A : memref<!tpu.dma_semaphore, #tpu.memory_space<semaphore_mem>>) src(%arg23 : memref<64xf32, #tpu.memory_space<vmem>>) dst(%dma_wait3A_184 : memref<10000xf32, #tpu.memory_space<vmem_shared>>)
          tpu.yield
        }) : () -> ()
      } else {
      }
      %add3A_173 = arith.constant 2 : i32
      %add3A_174 = arith.addi %add3A_133, %add3A_173 : i32
      %lt3A_175 = arith.constant 312 : i32
      %lt3A_176 = arith.cmpi slt, %add3A_174, %lt3A_175 : i32
      %convert_element_type3A_177 = arith.extui %lt3A_176 : i1 to i32
      %cond3A_178 = arith.constant 0 : i32
      %cond3A_179 = arith.cmpi ne, %convert_element_type3A_177, %cond3A_178 : i32
      scf.if %cond3A_179 {
        %mul3A_181 = arith.constant 64 : i32
        %mul3A_182 = arith.muli %add3A_143, %mul3A_181 : i32
        %dma_start3A_183 = tpu.memref_slice %arg5[%mul3A_182] : memref<320000xi32, #tpu.memory_space<hbm>> -> memref<64xi32, #tpu.memory_space<hbm>>
        %dma_start3A_184 = tpu.memref_slice %arg5[%mul3A_182] : memref<320000xi32, #tpu.memory_space<hbm>> -> memref<64xi32, #tpu.memory_space<hbm>>
        tpu.enqueue_dma source(%dma_start3A_184 : memref<64xi32, #tpu.memory_space<hbm>>) target(%arg15 : memref<64xi32, #tpu.memory_space<vmem>>) target_semaphore(%arg27 : memref<!tpu.dma_semaphore, #tpu.memory_space<semaphore_mem>>)
        %dma_start3A_185 = tpu.memref_slice %arg6[%mul3A_182] : memref<320000xi32, #tpu.memory_space<hbm>> -> memref<64xi32, #tpu.memory_space<hbm>>
        %dma_start3A_186 = tpu.memref_slice %arg6[%mul3A_182] : memref<320000xi32, #tpu.memory_space<hbm>> -> memref<64xi32, #tpu.memory_space<hbm>>
        tpu.enqueue_dma source(%dma_start3A_186 : memref<64xi32, #tpu.memory_space<hbm>>) target(%arg14 : memref<64xi32, #tpu.memory_space<vmem>>) target_semaphore(%arg27 : memref<!tpu.dma_semaphore, #tpu.memory_space<semaphore_mem>>)
      } else {
      }
      %scan3A_180 = arith.constant 0 : i32
      scf.yield %scan3A_180 : i32
    }
    %scan3A_54 = arith.constant 156 : i32
    %lt3A = arith.constant 8 : i32
    %lt3A_55 = arith.cmpi slt, %arg1, %lt3A : i32
    %convert_element_type3A_56 = arith.extui %lt3A_55 : i1 to i32
    %cond3A_57 = arith.constant 0 : i32
    %cond3A_58 = arith.cmpi ne, %convert_element_type3A_56, %cond3A_57 : i32
    scf.if %cond3A_58 {
      %add3A_79 = arith.constant 4992 : i32
      %add3A_80 = arith.addi %add3A_79, %arg1 : i32
      %mul3A_81 = arith.constant 64 : i32
      %mul3A_82 = arith.muli %add3A_80, %mul3A_81 : i32
      "tpu.region"() ({
        %run_scoped3A = tpu.sem_alloc : memref<!tpu.dma_semaphore, #tpu.memory_space<semaphore_mem>>
        %dma_start3A_126 = tpu.memref_slice %arg5[%mul3A_82] : memref<320000xi32, #tpu.memory_space<hbm>> -> memref<64xi32, #tpu.memory_space<hbm>>
        %dma_start3A_127 = tpu.memref_slice %arg5[%mul3A_82] : memref<320000xi32, #tpu.memory_space<hbm>> -> memref<64xi32, #tpu.memory_space<hbm>>
        tpu.enqueue_dma source(%dma_start3A_127 : memref<64xi32, #tpu.memory_space<hbm>>) target(%arg12 : memref<64xi32, #tpu.memory_space<vmem>>) target_semaphore(%run_scoped3A : memref<!tpu.dma_semaphore, #tpu.memory_space<semaphore_mem>>)
        %dma_wait3A_128 = tpu.memref_slice %arg5[%mul3A_82] : memref<320000xi32, #tpu.memory_space<hbm>> -> memref<64xi32, #tpu.memory_space<hbm>>
        %dma_wait3A_129 = tpu.memref_slice %arg5[%mul3A_82] : memref<320000xi32, #tpu.memory_space<hbm>> -> memref<64xi32, #tpu.memory_space<hbm>>
        tpu.wait_dma2 semaphore(%run_scoped3A : memref<!tpu.dma_semaphore, #tpu.memory_space<semaphore_mem>>) src(%dma_wait3A_129 : memref<64xi32, #tpu.memory_space<hbm>>) dst(%arg12 : memref<64xi32, #tpu.memory_space<vmem>>)
        tpu.yield
      }) : () -> ()
      %mul3A_83 = arith.constant 64 : i32
      %mul3A_84 = arith.muli %add3A_80, %mul3A_83 : i32
      "tpu.region"() ({
        %run_scoped3A = tpu.sem_alloc : memref<!tpu.dma_semaphore, #tpu.memory_space<semaphore_mem>>
        %dma_start3A_126 = tpu.memref_slice %arg6[%mul3A_84] : memref<320000xi32, #tpu.memory_space<hbm>> -> memref<64xi32, #tpu.memory_space<hbm>>
        %dma_start3A_127 = tpu.memref_slice %arg6[%mul3A_84] : memref<320000xi32, #tpu.memory_space<hbm>> -> memref<64xi32, #tpu.memory_space<hbm>>
        tpu.enqueue_dma source(%dma_start3A_127 : memref<64xi32, #tpu.memory_space<hbm>>) target(%arg11 : memref<64xi32, #tpu.memory_space<vmem>>) target_semaphore(%run_scoped3A : memref<!tpu.dma_semaphore, #tpu.memory_space<semaphore_mem>>)
        %dma_wait3A_128 = tpu.memref_slice %arg6[%mul3A_84] : memref<320000xi32, #tpu.memory_space<hbm>> -> memref<64xi32, #tpu.memory_space<hbm>>
        %dma_wait3A_129 = tpu.memref_slice %arg6[%mul3A_84] : memref<320000xi32, #tpu.memory_space<hbm>> -> memref<64xi32, #tpu.memory_space<hbm>>
        tpu.wait_dma2 semaphore(%run_scoped3A : memref<!tpu.dma_semaphore, #tpu.memory_space<semaphore_mem>>) src(%dma_wait3A_129 : memref<64xi32, #tpu.memory_space<hbm>>) dst(%arg11 : memref<64xi32, #tpu.memory_space<vmem>>)
        tpu.yield
      }) : () -> ()
      %scan3A_85 = arith.constant 0 : i32
      %scan3A_86 = arith.constant 0 : i32
      %scan3A_87 = arith.constant 4 : i32
      %scan3A_88 = arith.addi %scan3A_86, %scan3A_87 : i32
      %scan3A_89 = arith.constant 1 : i32
      %scan3A_90 = scf.for %scan3A_126 = %scan3A_86 to %scan3A_88 step %scan3A_89 iter_args(%scan3A_127 = %scan3A_85) -> (i32)  : i32 {
        %mul3A_128 = arith.constant 16 : i32
        %mul3A_129 = arith.muli %scan3A_126, %mul3A_128 : i32
        %get3A = arith.index_cast %mul3A_129 : i32 to index
        %get3A_130 = tpu.vector_load %arg12[%get3A] {strides = array<i32>} : memref<64xi32, #tpu.memory_space<vmem>>, vector<16xi32>,
        %get3A_131 = vector.shape_cast %get3A_130 : vector<16xi32> to vector<16xi32>
        %add3A_132 = vector.broadcast %mul3A_17 : i32 to vector<16xi32>
        %add3A_133 = arith.addi %get3A_131, %add3A_132 : vector<16xi32>
        %swap3A = arith.index_cast %mul3A_129 : i32 to index
        %swap3A_134 = tpu.vector_load %arg12[%swap3A] {strides = array<i32>} : memref<64xi32, #tpu.memory_space<vmem>>, vector<16xi32>,
        %swap3A_135 = vector.shape_cast %swap3A_134 : vector<16xi32> to vector<16xi32>
        %swap3A_136 = vector.shape_cast %add3A_133 : vector<16xi32> to vector<16xi32>
        tpu.vector_store %arg12[%swap3A], %swap3A_136 {strides = array<i32>} : memref<64xi32, #tpu.memory_space<vmem>>, vector<16xi32>,
        %get3A_137 = arith.index_cast %mul3A_129 : i32 to index
        %get3A_138 = tpu.vector_load %arg11[%get3A_137] {strides = array<i32>} : memref<64xi32, #tpu.memory_space<vmem>>, vector<16xi32>,
        %get3A_139 = vector.shape_cast %get3A_138 : vector<16xi32> to vector<16xi32>
        %add3A_140 = vector.broadcast %mul3A_17 : i32 to vector<16xi32>
        %add3A_141 = arith.addi %get3A_139, %add3A_140 : vector<16xi32>
        %swap3A_142 = arith.index_cast %mul3A_129 : i32 to index
        %swap3A_143 = tpu.vector_load %arg13[%swap3A_142] {strides = array<i32>} : memref<64xi32, #tpu.memory_space<vmem>>, vector<16xi32>,
        %swap3A_144 = vector.shape_cast %swap3A_143 : vector<16xi32> to vector<16xi32>
        %swap3A_145 = vector.shape_cast %add3A_141 : vector<16xi32> to vector<16xi32>
        tpu.vector_store %arg13[%swap3A_142], %swap3A_145 {strides = array<i32>} : memref<64xi32, #tpu.memory_space<vmem>>, vector<16xi32>,
        %scan3A_146 = arith.constant 0 : i32
        scf.yield %scan3A_146 : i32
      }
      %scan3A_91 = arith.constant 4 : i32
      %mul3A_92 = arith.constant 64 : i32
      %mul3A_93 = arith.muli %add3A_80, %mul3A_92 : i32
      %dma_start3A_94 = arith.constant 0 : i32
      %dma_start3A_95 = arith.constant 0 : i32
      %dma_start3A_96 = tpu.memref_slice %arg2[%dma_start3A_94, %dma_start3A_95] : memref<20000x128xf32, #tpu.memory_space<hbm>> -> memref<20000x128xf32, #tpu.memory_space<hbm>>
      tpu.enqueue_indirect_dma source(%dma_start3A_96 : memref<20000x128xf32, #tpu.memory_space<hbm>>) target(%arg17 : memref<64x128xf32, #tpu.memory_space<vmem>>) offsets(%arg12 : memref<64xi32, #tpu.memory_space<vmem>>) semaphore(%arg28 : memref<!tpu.dma_semaphore, #tpu.memory_space<semaphore_mem>>)
      %dma_start3A_97 = arith.constant 0 : i32
      %dma_start3A_98 = arith.constant 0 : i32
      %dma_start3A_99 = tpu.memref_slice %arg3[%dma_start3A_97, %dma_start3A_98] : memref<20000x128xf32, #tpu.memory_space<hbm>> -> memref<20000x128xf32, #tpu.memory_space<hbm>>
      tpu.enqueue_indirect_dma source(%dma_start3A_99 : memref<20000x128xf32, #tpu.memory_space<hbm>>) target(%arg18 : memref<64x128xf32, #tpu.memory_space<vmem>>) offsets(%arg13 : memref<64xi32, #tpu.memory_space<vmem>>) semaphore(%arg29 : memref<!tpu.dma_semaphore, #tpu.memory_space<semaphore_mem>>)
      %add3A_100 = arith.addi %mul3A_15, %mul3A_93 : i32
      %dma_start3A_101 = arith.constant 0 : i32
      %dma_start3A_102 = tpu.memref_slice %arg4[%add3A_100, %dma_start3A_101] : memref<640000x128xf32, #tpu.memory_space<hbm>> -> memref<64x128xf32, #tpu.memory_space<hbm>>
      %dma_start3A_103 = arith.constant 0 : i32
      %dma_start3A_104 = tpu.memref_slice %arg4[%add3A_100, %dma_start3A_103] : memref<640000x128xf32, #tpu.memory_space<hbm>> -> memref<64x128xf32, #tpu.memory_space<hbm>>
      tpu.enqueue_dma source(%dma_start3A_104 : memref<64x128xf32, #tpu.memory_space<hbm>>) target(%arg19 : memref<64x128xf32, #tpu.memory_space<vmem>>) target_semaphore(%arg30 : memref<!tpu.dma_semaphore, #tpu.memory_space<semaphore_mem>>)
      %dma_wait3A = arith.constant 0 : i32
      %dma_wait3A_105 = arith.constant 0 : i32
      %dma_wait3A_106 = tpu.memref_slice %arg2[%dma_wait3A, %dma_wait3A_105] : memref<20000x128xf32, #tpu.memory_space<hbm>> -> memref<20000x128xf32, #tpu.memory_space<hbm>>
      tpu.wait_indirect_dma semaphore(%arg28 : memref<!tpu.dma_semaphore, #tpu.memory_space<semaphore_mem>>) src(%dma_wait3A_106 : memref<20000x128xf32, #tpu.memory_space<hbm>>) dst(%arg17 : memref<64x128xf32, #tpu.memory_space<vmem>>)
      %dma_wait3A_107 = arith.constant 0 : i32
      %dma_wait3A_108 = arith.constant 0 : i32
      %dma_wait3A_109 = tpu.memref_slice %arg3[%dma_wait3A_107, %dma_wait3A_108] : memref<20000x128xf32, #tpu.memory_space<hbm>> -> memref<20000x128xf32, #tpu.memory_space<hbm>>
      tpu.wait_indirect_dma semaphore(%arg29 : memref<!tpu.dma_semaphore, #tpu.memory_space<semaphore_mem>>) src(%dma_wait3A_109 : memref<20000x128xf32, #tpu.memory_space<hbm>>) dst(%arg18 : memref<64x128xf32, #tpu.memory_space<vmem>>)
      %dma_wait3A_110 = arith.constant 0 : i32
      %dma_wait3A_111 = tpu.memref_slice %arg4[%mul3A_15, %dma_wait3A_110] : memref<640000x128xf32, #tpu.memory_space<hbm>> -> memref<64x128xf32, #tpu.memory_space<hbm>>
      %dma_wait3A_112 = arith.constant 0 : i32
      %dma_wait3A_113 = tpu.memref_slice %arg4[%mul3A_15, %dma_wait3A_112] : memref<640000x128xf32, #tpu.memory_space<hbm>> -> memref<64x128xf32, #tpu.memory_space<hbm>>
      tpu.wait_dma2 semaphore(%arg30 : memref<!tpu.dma_semaphore, #tpu.memory_space<semaphore_mem>>) src(%dma_wait3A_113 : memref<64x128xf32, #tpu.memory_space<hbm>>) dst(%arg19 : memref<64x128xf32, #tpu.memory_space<vmem>>)
      %scan3A_114 = arith.constant 0 : i32
      %scan3A_115 = arith.constant 0 : i32
      %scan3A_116 = arith.constant 64 : i32
      %scan3A_117 = arith.addi %scan3A_115, %scan3A_116 : i32
      %scan3A_118 = arith.constant 1 : i32
      %scan3A_119 = scf.for %scan3A_126 = %scan3A_115 to %scan3A_117 step %scan3A_118 iter_args(%scan3A_127 = %scan3A_114) -> (i32)  : i32 {
        %get3A = arith.index_cast %scan3A_126 : i32 to index
        %get3A_128 = arith.constant 0 : index
        %get3A_129 = tpu.vector_load %arg17[%get3A, %get3A_128] {strides = array<i32>} : memref<64x128xf32, #tpu.memory_space<vmem>>, vector<1x16xf32>,
        %get3A_130 = vector.shape_cast %get3A_129 : vector<1x16xf32> to vector<16xf32>
        %get3A_131 = arith.index_cast %scan3A_126 : i32 to index
        %get3A_132 = arith.constant 0 : index
        %get3A_133 = tpu.vector_load %arg18[%get3A_131, %get3A_132] {strides = array<i32>} : memref<64x128xf32, #tpu.memory_space<vmem>>, vector<1x16xf32>,
        %get3A_134 = vector.shape_cast %get3A_133 : vector<1x16xf32> to vector<16xf32>
        %add3A_135 = arith.addf %get3A_130, %get3A_134 : vector<16xf32>
        %get3A_136 = arith.index_cast %scan3A_126 : i32 to index
        %get3A_137 = arith.constant 0 : index
        %get3A_138 = tpu.vector_load %arg19[%get3A_136, %get3A_137] {strides = array<i32>} : memref<64x128xf32, #tpu.memory_space<vmem>>, vector<1x16xf32>,
        %get3A_139 = vector.shape_cast %get3A_138 : vector<1x16xf32> to vector<16xf32>
        %add3A_140 = arith.addf %add3A_135, %get3A_139 : vector<16xf32>
        %max3A = arith.constant 0.000000e+00 : f32
        %max3A_141 = vector.broadcast %max3A : f32 to vector<16xf32>
        %max3A_142 = arith.maximumf %add3A_140, %max3A_141 : vector<16xf32>
        %swap3A = arith.index_cast %scan3A_126 : i32 to index
        %swap3A_143 = arith.constant 0 : index
        %swap3A_144 = tpu.vector_load %arg19[%swap3A, %swap3A_143] {strides = array<i32>} : memref<64x128xf32, #tpu.memory_space<vmem>>, vector<1x16xf32>,
        %swap3A_145 = vector.shape_cast %swap3A_144 : vector<1x16xf32> to vector<16xf32>
        %swap3A_146 = vector.shape_cast %max3A_142 : vector<16xf32> to vector<1x16xf32>
        tpu.vector_store %arg19[%swap3A, %swap3A_143], %swap3A_146 {strides = array<i32>} : memref<64x128xf32, #tpu.memory_space<vmem>>, vector<1x16xf32>,
        %get3A_147 = arith.index_cast %scan3A_126 : i32 to index
        %get3A_148 = arith.constant 16 : index
        %get3A_149 = tpu.vector_load %arg17[%get3A_147, %get3A_148] {strides = array<i32>} : memref<64x128xf32, #tpu.memory_space<vmem>>, vector<1x16xf32>,
        %get3A_150 = vector.shape_cast %get3A_149 : vector<1x16xf32> to vector<16xf32>
        %get3A_151 = arith.index_cast %scan3A_126 : i32 to index
        %get3A_152 = arith.constant 16 : index
        %get3A_153 = tpu.vector_load %arg18[%get3A_151, %get3A_152] {strides = array<i32>} : memref<64x128xf32, #tpu.memory_space<vmem>>, vector<1x16xf32>,
        %get3A_154 = vector.shape_cast %get3A_153 : vector<1x16xf32> to vector<16xf32>
        %add3A_155 = arith.addf %get3A_150, %get3A_154 : vector<16xf32>
        %get3A_156 = arith.index_cast %scan3A_126 : i32 to index
        %get3A_157 = arith.constant 16 : index
        %get3A_158 = tpu.vector_load %arg19[%get3A_156, %get3A_157] {strides = array<i32>} : memref<64x128xf32, #tpu.memory_space<vmem>>, vector<1x16xf32>,
        %get3A_159 = vector.shape_cast %get3A_158 : vector<1x16xf32> to vector<16xf32>
        %add3A_160 = arith.addf %add3A_155, %get3A_159 : vector<16xf32>
        %max3A_161 = arith.constant 0.000000e+00 : f32
        %max3A_162 = vector.broadcast %max3A_161 : f32 to vector<16xf32>
        %max3A_163 = arith.maximumf %add3A_160, %max3A_162 : vector<16xf32>
        %swap3A_164 = arith.index_cast %scan3A_126 : i32 to index
        %swap3A_165 = arith.constant 16 : index
        %swap3A_166 = tpu.vector_load %arg19[%swap3A_164, %swap3A_165] {strides = array<i32>} : memref<64x128xf32, #tpu.memory_space<vmem>>, vector<1x16xf32>,
        %swap3A_167 = vector.shape_cast %swap3A_166 : vector<1x16xf32> to vector<16xf32>
        %swap3A_168 = vector.shape_cast %max3A_163 : vector<16xf32> to vector<1x16xf32>
        tpu.vector_store %arg19[%swap3A_164, %swap3A_165], %swap3A_168 {strides = array<i32>} : memref<64x128xf32, #tpu.memory_space<vmem>>, vector<1x16xf32>,
        %get3A_169 = arith.index_cast %scan3A_126 : i32 to index
        %get3A_170 = arith.constant 32 : index
        %get3A_171 = tpu.vector_load %arg17[%get3A_169, %get3A_170] {strides = array<i32>} : memref<64x128xf32, #tpu.memory_space<vmem>>, vector<1x16xf32>,
        %get3A_172 = vector.shape_cast %get3A_171 : vector<1x16xf32> to vector<16xf32>
        %get3A_173 = arith.index_cast %scan3A_126 : i32 to index
        %get3A_174 = arith.constant 32 : index
        %get3A_175 = tpu.vector_load %arg18[%get3A_173, %get3A_174] {strides = array<i32>} : memref<64x128xf32, #tpu.memory_space<vmem>>, vector<1x16xf32>,
        %get3A_176 = vector.shape_cast %get3A_175 : vector<1x16xf32> to vector<16xf32>
        %add3A_177 = arith.addf %get3A_172, %get3A_176 : vector<16xf32>
        %get3A_178 = arith.index_cast %scan3A_126 : i32 to index
        %get3A_179 = arith.constant 32 : index
        %get3A_180 = tpu.vector_load %arg19[%get3A_178, %get3A_179] {strides = array<i32>} : memref<64x128xf32, #tpu.memory_space<vmem>>, vector<1x16xf32>,
        %get3A_181 = vector.shape_cast %get3A_180 : vector<1x16xf32> to vector<16xf32>
        %add3A_182 = arith.addf %add3A_177, %get3A_181 : vector<16xf32>
        %max3A_183 = arith.constant 0.000000e+00 : f32
        %max3A_184 = vector.broadcast %max3A_183 : f32 to vector<16xf32>
        %max3A_185 = arith.maximumf %add3A_182, %max3A_184 : vector<16xf32>
        %swap3A_186 = arith.index_cast %scan3A_126 : i32 to index
        %swap3A_187 = arith.constant 32 : index
        %swap3A_188 = tpu.vector_load %arg19[%swap3A_186, %swap3A_187] {strides = array<i32>} : memref<64x128xf32, #tpu.memory_space<vmem>>, vector<1x16xf32>,
        %swap3A_189 = vector.shape_cast %swap3A_188 : vector<1x16xf32> to vector<16xf32>
        %swap3A_190 = vector.shape_cast %max3A_185 : vector<16xf32> to vector<1x16xf32>
        tpu.vector_store %arg19[%swap3A_186, %swap3A_187], %swap3A_190 {strides = array<i32>} : memref<64x128xf32, #tpu.memory_space<vmem>>, vector<1x16xf32>,
        %get3A_191 = arith.index_cast %scan3A_126 : i32 to index
        %get3A_192 = arith.constant 48 : index
        %get3A_193 = tpu.vector_load %arg17[%get3A_191, %get3A_192] {strides = array<i32>} : memref<64x128xf32, #tpu.memory_space<vmem>>, vector<1x16xf32>,
        %get3A_194 = vector.shape_cast %get3A_193 : vector<1x16xf32> to vector<16xf32>
        %get3A_195 = arith.index_cast %scan3A_126 : i32 to index
        %get3A_196 = arith.constant 48 : index
        %get3A_197 = tpu.vector_load %arg18[%get3A_195, %get3A_196] {strides = array<i32>} : memref<64x128xf32, #tpu.memory_space<vmem>>, vector<1x16xf32>,
        %get3A_198 = vector.shape_cast %get3A_197 : vector<1x16xf32> to vector<16xf32>
        %add3A_199 = arith.addf %get3A_194, %get3A_198 : vector<16xf32>
        %get3A_200 = arith.index_cast %scan3A_126 : i32 to index
        %get3A_201 = arith.constant 48 : index
        %get3A_202 = tpu.vector_load %arg19[%get3A_200, %get3A_201] {strides = array<i32>} : memref<64x128xf32, #tpu.memory_space<vmem>>, vector<1x16xf32>,
        %get3A_203 = vector.shape_cast %get3A_202 : vector<1x16xf32> to vector<16xf32>
        %add3A_204 = arith.addf %add3A_199, %get3A_203 : vector<16xf32>
        %max3A_205 = arith.constant 0.000000e+00 : f32
        %max3A_206 = vector.broadcast %max3A_205 : f32 to vector<16xf32>
        %max3A_207 = arith.maximumf %add3A_204, %max3A_206 : vector<16xf32>
        %swap3A_208 = arith.index_cast %scan3A_126 : i32 to index
        %swap3A_209 = arith.constant 48 : index
        %swap3A_210 = tpu.vector_load %arg19[%swap3A_208, %swap3A_209] {strides = array<i32>} : memref<64x128xf32, #tpu.memory_space<vmem>>, vector<1x16xf32>,
        %swap3A_211 = vector.shape_cast %swap3A_210 : vector<1x16xf32> to vector<16xf32>
        %swap3A_212 = vector.shape_cast %max3A_207 : vector<16xf32> to vector<1x16xf32>
        tpu.vector_store %arg19[%swap3A_208, %swap3A_209], %swap3A_212 {strides = array<i32>} : memref<64x128xf32, #tpu.memory_space<vmem>>, vector<1x16xf32>,
        %get3A_213 = arith.index_cast %scan3A_126 : i32 to index
        %get3A_214 = arith.constant 64 : index
        %get3A_215 = tpu.vector_load %arg17[%get3A_213, %get3A_214] {strides = array<i32>} : memref<64x128xf32, #tpu.memory_space<vmem>>, vector<1x16xf32>,
        %get3A_216 = vector.shape_cast %get3A_215 : vector<1x16xf32> to vector<16xf32>
        %get3A_217 = arith.index_cast %scan3A_126 : i32 to index
        %get3A_218 = arith.constant 64 : index
        %get3A_219 = tpu.vector_load %arg18[%get3A_217, %get3A_218] {strides = array<i32>} : memref<64x128xf32, #tpu.memory_space<vmem>>, vector<1x16xf32>,
        %get3A_220 = vector.shape_cast %get3A_219 : vector<1x16xf32> to vector<16xf32>
        %add3A_221 = arith.addf %get3A_216, %get3A_220 : vector<16xf32>
        %get3A_222 = arith.index_cast %scan3A_126 : i32 to index
        %get3A_223 = arith.constant 64 : index
        %get3A_224 = tpu.vector_load %arg19[%get3A_222, %get3A_223] {strides = array<i32>} : memref<64x128xf32, #tpu.memory_space<vmem>>, vector<1x16xf32>,
        %get3A_225 = vector.shape_cast %get3A_224 : vector<1x16xf32> to vector<16xf32>
        %add3A_226 = arith.addf %add3A_221, %get3A_225 : vector<16xf32>
        %max3A_227 = arith.constant 0.000000e+00 : f32
        %max3A_228 = vector.broadcast %max3A_227 : f32 to vector<16xf32>
        %max3A_229 = arith.maximumf %add3A_226, %max3A_228 : vector<16xf32>
        %swap3A_230 = arith.index_cast %scan3A_126 : i32 to index
        %swap3A_231 = arith.constant 64 : index
        %swap3A_232 = tpu.vector_load %arg19[%swap3A_230, %swap3A_231] {strides = array<i32>} : memref<64x128xf32, #tpu.memory_space<vmem>>, vector<1x16xf32>,
        %swap3A_233 = vector.shape_cast %swap3A_232 : vector<1x16xf32> to vector<16xf32>
        %swap3A_234 = vector.shape_cast %max3A_229 : vector<16xf32> to vector<1x16xf32>
        tpu.vector_store %arg19[%swap3A_230, %swap3A_231], %swap3A_234 {strides = array<i32>} : memref<64x128xf32, #tpu.memory_space<vmem>>, vector<1x16xf32>,
        %get3A_235 = arith.index_cast %scan3A_126 : i32 to index
        %get3A_236 = arith.constant 80 : index
        %get3A_237 = tpu.vector_load %arg17[%get3A_235, %get3A_236] {strides = array<i32>} : memref<64x128xf32, #tpu.memory_space<vmem>>, vector<1x16xf32>,
        %get3A_238 = vector.shape_cast %get3A_237 : vector<1x16xf32> to vector<16xf32>
        %get3A_239 = arith.index_cast %scan3A_126 : i32 to index
        %get3A_240 = arith.constant 80 : index
        %get3A_241 = tpu.vector_load %arg18[%get3A_239, %get3A_240] {strides = array<i32>} : memref<64x128xf32, #tpu.memory_space<vmem>>, vector<1x16xf32>,
        %get3A_242 = vector.shape_cast %get3A_241 : vector<1x16xf32> to vector<16xf32>
        %add3A_243 = arith.addf %get3A_238, %get3A_242 : vector<16xf32>
        %get3A_244 = arith.index_cast %scan3A_126 : i32 to index
        %get3A_245 = arith.constant 80 : index
        %get3A_246 = tpu.vector_load %arg19[%get3A_244, %get3A_245] {strides = array<i32>} : memref<64x128xf32, #tpu.memory_space<vmem>>, vector<1x16xf32>,
        %get3A_247 = vector.shape_cast %get3A_246 : vector<1x16xf32> to vector<16xf32>
        %add3A_248 = arith.addf %add3A_243, %get3A_247 : vector<16xf32>
        %max3A_249 = arith.constant 0.000000e+00 : f32
        %max3A_250 = vector.broadcast %max3A_249 : f32 to vector<16xf32>
        %max3A_251 = arith.maximumf %add3A_248, %max3A_250 : vector<16xf32>
        %swap3A_252 = arith.index_cast %scan3A_126 : i32 to index
        %swap3A_253 = arith.constant 80 : index
        %swap3A_254 = tpu.vector_load %arg19[%swap3A_252, %swap3A_253] {strides = array<i32>} : memref<64x128xf32, #tpu.memory_space<vmem>>, vector<1x16xf32>,
        %swap3A_255 = vector.shape_cast %swap3A_254 : vector<1x16xf32> to vector<16xf32>
        %swap3A_256 = vector.shape_cast %max3A_251 : vector<16xf32> to vector<1x16xf32>
        tpu.vector_store %arg19[%swap3A_252, %swap3A_253], %swap3A_256 {strides = array<i32>} : memref<64x128xf32, #tpu.memory_space<vmem>>, vector<1x16xf32>,
        %get3A_257 = arith.index_cast %scan3A_126 : i32 to index
        %get3A_258 = arith.constant 96 : index
        %get3A_259 = tpu.vector_load %arg17[%get3A_257, %get3A_258] {strides = array<i32>} : memref<64x128xf32, #tpu.memory_space<vmem>>, vector<1x16xf32>,
        %get3A_260 = vector.shape_cast %get3A_259 : vector<1x16xf32> to vector<16xf32>
        %get3A_261 = arith.index_cast %scan3A_126 : i32 to index
        %get3A_262 = arith.constant 96 : index
        %get3A_263 = tpu.vector_load %arg18[%get3A_261, %get3A_262] {strides = array<i32>} : memref<64x128xf32, #tpu.memory_space<vmem>>, vector<1x16xf32>,
        %get3A_264 = vector.shape_cast %get3A_263 : vector<1x16xf32> to vector<16xf32>
        %add3A_265 = arith.addf %get3A_260, %get3A_264 : vector<16xf32>
        %get3A_266 = arith.index_cast %scan3A_126 : i32 to index
        %get3A_267 = arith.constant 96 : index
        %get3A_268 = tpu.vector_load %arg19[%get3A_266, %get3A_267] {strides = array<i32>} : memref<64x128xf32, #tpu.memory_space<vmem>>, vector<1x16xf32>,
        %get3A_269 = vector.shape_cast %get3A_268 : vector<1x16xf32> to vector<16xf32>
        %add3A_270 = arith.addf %add3A_265, %get3A_269 : vector<16xf32>
        %max3A_271 = arith.constant 0.000000e+00 : f32
        %max3A_272 = vector.broadcast %max3A_271 : f32 to vector<16xf32>
        %max3A_273 = arith.maximumf %add3A_270, %max3A_272 : vector<16xf32>
        %swap3A_274 = arith.index_cast %scan3A_126 : i32 to index
        %swap3A_275 = arith.constant 96 : index
        %swap3A_276 = tpu.vector_load %arg19[%swap3A_274, %swap3A_275] {strides = array<i32>} : memref<64x128xf32, #tpu.memory_space<vmem>>, vector<1x16xf32>,
        %swap3A_277 = vector.shape_cast %swap3A_276 : vector<1x16xf32> to vector<16xf32>
        %swap3A_278 = vector.shape_cast %max3A_273 : vector<16xf32> to vector<1x16xf32>
        tpu.vector_store %arg19[%swap3A_274, %swap3A_275], %swap3A_278 {strides = array<i32>} : memref<64x128xf32, #tpu.memory_space<vmem>>, vector<1x16xf32>,
        %get3A_279 = arith.index_cast %scan3A_126 : i32 to index
        %get3A_280 = arith.constant 112 : index
        %get3A_281 = tpu.vector_load %arg17[%get3A_279, %get3A_280] {strides = array<i32>} : memref<64x128xf32, #tpu.memory_space<vmem>>, vector<1x16xf32>,
        %get3A_282 = vector.shape_cast %get3A_281 : vector<1x16xf32> to vector<16xf32>
        %get3A_283 = arith.index_cast %scan3A_126 : i32 to index
        %get3A_284 = arith.constant 112 : index
        %get3A_285 = tpu.vector_load %arg18[%get3A_283, %get3A_284] {strides = array<i32>} : memref<64x128xf32, #tpu.memory_space<vmem>>, vector<1x16xf32>,
        %get3A_286 = vector.shape_cast %get3A_285 : vector<1x16xf32> to vector<16xf32>
        %add3A_287 = arith.addf %get3A_282, %get3A_286 : vector<16xf32>
        %get3A_288 = arith.index_cast %scan3A_126 : i32 to index
        %get3A_289 = arith.constant 112 : index
        %get3A_290 = tpu.vector_load %arg19[%get3A_288, %get3A_289] {strides = array<i32>} : memref<64x128xf32, #tpu.memory_space<vmem>>, vector<1x16xf32>,
        %get3A_291 = vector.shape_cast %get3A_290 : vector<1x16xf32> to vector<16xf32>
        %add3A_292 = arith.addf %add3A_287, %get3A_291 : vector<16xf32>
        %max3A_293 = arith.constant 0.000000e+00 : f32
        %max3A_294 = vector.broadcast %max3A_293 : f32 to vector<16xf32>
        %max3A_295 = arith.maximumf %add3A_292, %max3A_294 : vector<16xf32>
        %swap3A_296 = arith.index_cast %scan3A_126 : i32 to index
        %swap3A_297 = arith.constant 112 : index
        %swap3A_298 = tpu.vector_load %arg19[%swap3A_296, %swap3A_297] {strides = array<i32>} : memref<64x128xf32, #tpu.memory_space<vmem>>, vector<1x16xf32>,
        %swap3A_299 = vector.shape_cast %swap3A_298 : vector<1x16xf32> to vector<16xf32>
        %swap3A_300 = vector.shape_cast %max3A_295 : vector<16xf32> to vector<1x16xf32>
        tpu.vector_store %arg19[%swap3A_296, %swap3A_297], %swap3A_300 {strides = array<i32>} : memref<64x128xf32, #tpu.memory_space<vmem>>, vector<1x16xf32>,
        %scan3A_301 = arith.constant 0 : i32
        scf.yield %scan3A_301 : i32
      }
      %scan3A_120 = arith.constant 64 : i32
      "tpu.region"() ({
        %run_scoped3A = tpu.sem_alloc : memref<!tpu.dma_semaphore, #tpu.memory_space<semaphore_mem>>
        %dma_start3A_126 = arith.constant 0 : i32
        %dma_start3A_127 = arith.constant 0 : i32
        %dma_start3A_128 = tpu.memref_slice %arg24[%dma_start3A_126, %dma_start3A_127] : memref<10000x128xf32, #tpu.memory_space<vmem_shared>> -> memref<10000x128xf32, #tpu.memory_space<vmem_shared>>
        tpu.enqueue_indirect_dma source(%arg19 : memref<64x128xf32, #tpu.memory_space<vmem>>) target(%dma_start3A_128 : memref<10000x128xf32, #tpu.memory_space<vmem_shared>>) offsets(%arg11 : memref<64xi32, #tpu.memory_space<vmem>>) semaphore(%run_scoped3A : memref<!tpu.dma_semaphore, #tpu.memory_space<semaphore_mem>>) {add = true}
        %dma_wait3A_129 = arith.constant 0 : i32
        %dma_wait3A_130 = arith.constant 0 : i32
        %dma_wait3A_131 = tpu.memref_slice %arg24[%dma_wait3A_129, %dma_wait3A_130] : memref<10000x128xf32, #tpu.memory_space<vmem_shared>> -> memref<10000x128xf32, #tpu.memory_space<vmem_shared>>
        tpu.wait_indirect_dma semaphore(%run_scoped3A : memref<!tpu.dma_semaphore, #tpu.memory_space<semaphore_mem>>) src(%arg19 : memref<64x128xf32, #tpu.memory_space<vmem>>) dst(%dma_wait3A_131 : memref<10000x128xf32, #tpu.memory_space<vmem_shared>>)
        tpu.yield
      }) : () -> ()
      %eq3A_121 = arith.constant 0 : i32
      %eq3A_122 = arith.cmpi eq, %arg0, %eq3A_121 : i32
      %convert_element_type3A_123 = arith.extui %eq3A_122 : i1 to i32
      %cond3A_124 = arith.constant 0 : i32
      %cond3A_125 = arith.cmpi ne, %convert_element_type3A_123, %cond3A_124 : i32
      scf.if %cond3A_125 {
        "tpu.region"() ({
          %run_scoped3A = tpu.sem_alloc : memref<!tpu.dma_semaphore, #tpu.memory_space<semaphore_mem>>
          %dma_start3A_126 = arith.constant 0 : i32
          %dma_start3A_127 = tpu.memref_slice %arg25[%dma_start3A_126] : memref<10000xf32, #tpu.memory_space<vmem_shared>> -> memref<10000xf32, #tpu.memory_space<vmem_shared>>
          tpu.enqueue_indirect_dma source(%arg23 : memref<64xf32, #tpu.memory_space<vmem>>) target(%dma_start3A_127 : memref<10000xf32, #tpu.memory_space<vmem_shared>>) offsets(%arg11 : memref<64xi32, #tpu.memory_space<vmem>>) semaphore(%run_scoped3A : memref<!tpu.dma_semaphore, #tpu.memory_space<semaphore_mem>>) {add = true}
          %dma_wait3A_128 = arith.constant 0 : i32
          %dma_wait3A_129 = tpu.memref_slice %arg25[%dma_wait3A_128] : memref<10000xf32, #tpu.memory_space<vmem_shared>> -> memref<10000xf32, #tpu.memory_space<vmem_shared>>
          tpu.wait_indirect_dma semaphore(%run_scoped3A : memref<!tpu.dma_semaphore, #tpu.memory_space<semaphore_mem>>) src(%arg23 : memref<64xf32, #tpu.memory_space<vmem>>) dst(%dma_wait3A_129 : memref<10000xf32, #tpu.memory_space<vmem_shared>>)
          tpu.yield
        }) : () -> ()
      } else {
      }
    } else {
    }
    %barrier3A_59 = arith.constant 0 : index
    tpu.barrier barrier_id(%barrier3A_59)
    %mul3A_60 = arith.constant 624 : i32
    %mul3A_61 = arith.muli %arg1, %mul3A_60 : i32
    %mul3A_62 = arith.constant 10000 : i32
    %mul3A_63 = arith.muli %arg0, %mul3A_62 : i32
    %mul3A_64 = arith.constant 624 : i32
    %mul3A_65 = arith.muli %arg1, %mul3A_64 : i32
    %add3A_66 = arith.addi %mul3A_63, %mul3A_65 : i32
    "tpu.region"() ({
      %run_scoped3A = tpu.sem_alloc : memref<!tpu.dma_semaphore, #tpu.memory_space<semaphore_mem>>
      %dma_start3A_79 = arith.constant 0 : i32
      %dma_start3A_80 = tpu.memref_slice %arg9[%add3A_66, %dma_start3A_79] : memref<20000x128xf32, #tpu.memory_space<hbm>> -> memref<624x128xf32, #tpu.memory_space<hbm>>
      %dma_start3A_81 = arith.constant 0 : i32
      %dma_start3A_82 = tpu.memref_slice %arg24[%mul3A_61, %dma_start3A_81] : memref<10000x128xf32, #tpu.memory_space<vmem_shared>> -> memref<624x128xf32, #tpu.memory_space<vmem_shared>>
      tpu.enqueue_dma source(%dma_start3A_82 : memref<624x128xf32, #tpu.memory_space<vmem_shared>>) target(%dma_start3A_80 : memref<624x128xf32, #tpu.memory_space<hbm>>) target_semaphore(%run_scoped3A : memref<!tpu.dma_semaphore, #tpu.memory_space<semaphore_mem>>)
      %dma_wait3A = arith.constant 0 : i32
      %dma_wait3A_83 = tpu.memref_slice %arg9[%add3A_66, %dma_wait3A] : memref<20000x128xf32, #tpu.memory_space<hbm>> -> memref<624x128xf32, #tpu.memory_space<hbm>>
      %dma_wait3A_84 = arith.constant 0 : i32
      %dma_wait3A_85 = tpu.memref_slice %arg24[%mul3A_61, %dma_wait3A_84] : memref<10000x128xf32, #tpu.memory_space<vmem_shared>> -> memref<624x128xf32, #tpu.memory_space<vmem_shared>>
      tpu.wait_dma2 semaphore(%run_scoped3A : memref<!tpu.dma_semaphore, #tpu.memory_space<semaphore_mem>>) src(%dma_wait3A_85 : memref<624x128xf32, #tpu.memory_space<vmem_shared>>) dst(%dma_wait3A_83 : memref<624x128xf32, #tpu.memory_space<hbm>>)
      tpu.yield
    }) : () -> ()
    %eq3A_67 = arith.constant 15 : i32
    %eq3A_68 = arith.cmpi eq, %arg1, %eq3A_67 : i32
    %convert_element_type3A_69 = arith.extui %eq3A_68 : i1 to i32
    %cond3A_70 = arith.constant 0 : i32
    %cond3A_71 = arith.cmpi ne, %convert_element_type3A_69, %cond3A_70 : i32
    scf.if %cond3A_71 {
      %mul3A_79 = arith.constant 10000 : i32
      %mul3A_80 = arith.muli %arg0, %mul3A_79 : i32
      %add3A_81 = arith.constant 9984 : i32
      %add3A_82 = arith.addi %mul3A_80, %add3A_81 : i32
      "tpu.region"() ({
        %run_scoped3A = tpu.sem_alloc : memref<!tpu.dma_semaphore, #tpu.memory_space<semaphore_mem>>
        %dma_start3A_83 = arith.constant 0 : i32
        %dma_start3A_84 = tpu.memref_slice %arg9[%add3A_82, %dma_start3A_83] : memref<20000x128xf32, #tpu.memory_space<hbm>> -> memref<16x128xf32, #tpu.memory_space<hbm>>
        %dma_start3A_85 = arith.constant 9984 : i32
        %dma_start3A_86 = arith.constant 0 : i32
        %dma_start3A_87 = tpu.memref_slice %arg24[%dma_start3A_85, %dma_start3A_86] : memref<10000x128xf32, #tpu.memory_space<vmem_shared>> -> memref<16x128xf32, #tpu.memory_space<vmem_shared>>
        tpu.enqueue_dma source(%dma_start3A_87 : memref<16x128xf32, #tpu.memory_space<vmem_shared>>) target(%dma_start3A_84 : memref<16x128xf32, #tpu.memory_space<hbm>>) target_semaphore(%run_scoped3A : memref<!tpu.dma_semaphore, #tpu.memory_space<semaphore_mem>>)
        %dma_wait3A = arith.constant 0 : i32
        %dma_wait3A_88 = tpu.memref_slice %arg9[%add3A_82, %dma_wait3A] : memref<20000x128xf32, #tpu.memory_space<hbm>> -> memref<16x128xf32, #tpu.memory_space<hbm>>
        %dma_wait3A_89 = arith.constant 9984 : i32
        %dma_wait3A_90 = arith.constant 0 : i32
        %dma_wait3A_91 = tpu.memref_slice %arg24[%dma_wait3A_89, %dma_wait3A_90] : memref<10000x128xf32, #tpu.memory_space<vmem_shared>> -> memref<16x128xf32, #tpu.memory_space<vmem_shared>>
        tpu.wait_dma2 semaphore(%run_scoped3A : memref<!tpu.dma_semaphore, #tpu.memory_space<semaphore_mem>>) src(%dma_wait3A_91 : memref<16x128xf32, #tpu.memory_space<vmem_shared>>) dst(%dma_wait3A_88 : memref<16x128xf32, #tpu.memory_space<hbm>>)
        tpu.yield
      }) : () -> ()
    } else {
    }
    %eq3A_72 = arith.constant 0 : i32
    %eq3A_73 = arith.cmpi eq, %arg1, %eq3A_72 : i32
    %eq3A_74 = arith.constant 0 : i32
    %eq3A_75 = arith.cmpi eq, %arg0, %eq3A_74 : i32
    %and3A = arith.andi %eq3A_73, %eq3A_75 : i1
    %convert_element_type3A_76 = arith.extui %and3A : i1 to i32
    %cond3A_77 = arith.constant 0 : i32
    %cond3A_78 = arith.cmpi ne, %convert_element_type3A_76, %cond3A_77 : i32
    scf.if %cond3A_78 {
      "tpu.region"() ({
        %run_scoped3A = tpu.sem_alloc : memref<!tpu.dma_semaphore, #tpu.memory_space<semaphore_mem>>
        tpu.enqueue_dma source(%arg25 : memref<10000xf32, #tpu.memory_space<vmem_shared>>) target(%arg10 : memref<10000xf32, #tpu.memory_space<hbm>>) target_semaphore(%run_scoped3A : memref<!tpu.dma_semaphore, #tpu.memory_space<semaphore_mem>>)
        tpu.wait_dma2 semaphore(%run_scoped3A : memref<!tpu.dma_semaphore, #tpu.memory_space<semaphore_mem>>) src(%arg25 : memref<10000xf32, #tpu.memory_space<vmem_shared>>) dst(%arg10 : memref<10000xf32, #tpu.memory_space<hbm>>)
        tpu.yield
      }) : () -> ()
    } else {
    }
    return
  }
}

module attributes {stable_mosaic.version = 14 : i64} {
  func.func @_edge_mm_body(%arg0: i32, %arg1: i32, %arg2: memref<4000x16xf32, #tpu.memory_space<vmem>>, %arg3: memref<16x128xf32, #tpu.memory_space<vmem>>, %arg4: memref<1x1x128xf32, #tpu.memory_space<vmem>>, %arg5: memref<1x4000x128xf32, #tpu.memory_space<vmem>>) attributes {dimension_semantics = [#tpu.dimension_semantics<arbitrary>, #tpu.dimension_semantics<arbitrary>], iteration_bounds = array<i64: 2, 80>, scalar_prefetch = 0 : i64, scratch_operands = 0 : i64, tpu.core_type = #tpu.core_type<tc>, window_params = [{transform_indices = @transform_0, window_bounds = array<i64: 4000, 16>}, {transform_indices = @transform_1, window_bounds = array<i64: 16, 128>}, {transform_indices = @transform_2, window_bounds = array<i64: 1, 1, 128>}, {transform_indices = @transform_3, window_bounds = array<i64: 1, 4000, 128>}]} {
    %get3A = arith.constant 0 : index
    %get3A_0 = arith.constant 0 : index
    %get3A_1 = vector.load %arg2[%get3A, %get3A_0] : memref<4000x16xf32, #tpu.memory_space<vmem>>, vector<4000x16xf32>
    %get3A_2 = arith.constant 0 : index
    %get3A_3 = arith.constant 0 : index
    %get3A_4 = vector.load %arg3[%get3A_2, %get3A_3] : memref<16x128xf32, #tpu.memory_space<vmem>>, vector<16x128xf32>
    %dot_general3A = arith.constant dense<0.000000e+00> : vector<4000x128xf32>
    %dot_general3A_5 = tpu.matmul %get3A_1, %get3A_4, %dot_general3A {dimension_numbers = #tpu.dot_dimension_numbers<[1], [0], [0], [1], [0, 0, 1, 1], [], []>, transpose_lhs_hint = false} : vector<4000x16xf32>, vector<16x128xf32>, vector<4000x128xf32> -> vector<4000x128xf32>
    %broadcast_in_dim3A = vector.shape_cast %dot_general3A_5 : vector<4000x128xf32> to vector<1x4000x128xf32>
    %get3A_6 = arith.constant 0 : index
    %get3A_7 = arith.constant 0 : index
    %get3A_8 = arith.constant 0 : index
    %get3A_9 = vector.load %arg4[%get3A_6, %get3A_7, %get3A_8] : memref<1x1x128xf32, #tpu.memory_space<vmem>>, vector<1x1x128xf32>
    %add3A = vector.broadcast %get3A_9 : vector<1x1x128xf32> to vector<1x4000x128xf32>
    %add3A_10 = arith.addf %broadcast_in_dim3A, %add3A : vector<1x4000x128xf32>
    %swap3A = arith.constant 0 : index
    %swap3A_11 = arith.constant 0 : index
    %swap3A_12 = arith.constant 0 : index
    %swap3A_13 = vector.load %arg5[%swap3A, %swap3A_11, %swap3A_12] : memref<1x4000x128xf32, #tpu.memory_space<vmem>>, vector<1x4000x128xf32>
    tpu.vector_store %arg5[%swap3A, %swap3A_11, %swap3A_12], %add3A_10 {strides = array<i32>} : memref<1x4000x128xf32, #tpu.memory_space<vmem>>, vector<1x4000x128xf32>,
    return
  }
  func.func @transform_0(%arg0: i32, %arg1: i32) -> (i32, i32) {
    %c0_i32 = arith.constant 0 : i32
    %c0_i32_0 = arith.constant 0 : i32
    return %arg1, %c0_i32 : i32, i32
  }
  func.func @transform_1(%arg0: i32, %arg1: i32) -> (i32, i32) {
    %c0_i32 = arith.constant 0 : i32
    %c0_i32_0 = arith.constant 0 : i32
    return %c0_i32, %arg0 : i32, i32
  }
  func.func @transform_2(%arg0: i32, %arg1: i32) -> (i32, i32, i32) {
    %c0_i32 = arith.constant 0 : i32
    %c0_i32_0 = arith.constant 0 : i32
    %c0_i32_1 = arith.constant 0 : i32
    return %arg0, %c0_i32, %c0_i32_0 : i32, i32, i32
  }
  func.func @transform_3(%arg0: i32, %arg1: i32) -> (i32, i32, i32) {
    %c0_i32 = arith.constant 0 : i32
    %c0_i32_0 = arith.constant 0 : i32
    return %arg0, %arg1, %c0_i32 : i32, i32, i32
  }
}

module attributes {stable_mosaic.version = 14 : i64} {
  func.func @_node_mm_body(%arg0: i32, %arg1: i32, %arg2: memref<1000x128xf32, #tpu.memory_space<vmem>>, %arg3: memref<128x128xf32, #tpu.memory_space<vmem>>, %arg4: memref<128x128xf32, #tpu.memory_space<vmem>>, %arg5: memref<1x1000x128xf32, #tpu.memory_space<vmem>>, %arg6: memref<1x1000x128xf32, #tpu.memory_space<vmem>>) attributes {dimension_semantics = [#tpu.dimension_semantics<arbitrary>, #tpu.dimension_semantics<arbitrary>], iteration_bounds = array<i64: 2, 10>, scalar_prefetch = 0 : i64, scratch_operands = 0 : i64, tpu.core_type = #tpu.core_type<tc>, window_params = [{transform_indices = @transform_0, window_bounds = array<i64: 1000, 128>}, {transform_indices = @transform_1, window_bounds = array<i64: 128, 128>}, {transform_indices = @transform_2, window_bounds = array<i64: 128, 128>}, {transform_indices = @transform_3, window_bounds = array<i64: 1, 1000, 128>}, {transform_indices = @transform_4, window_bounds = array<i64: 1, 1000, 128>}]} {
    %get3A = arith.constant 0 : index
    %get3A_0 = arith.constant 0 : index
    %get3A_1 = vector.load %arg2[%get3A, %get3A_0] : memref<1000x128xf32, #tpu.memory_space<vmem>>, vector<1000x128xf32>
    %get3A_2 = arith.constant 0 : index
    %get3A_3 = arith.constant 0 : index
    %get3A_4 = vector.load %arg3[%get3A_2, %get3A_3] : memref<128x128xf32, #tpu.memory_space<vmem>>, vector<128x128xf32>
    %dot_general3A = arith.constant dense<0.000000e+00> : vector<1000x128xf32>
    %dot_general3A_5 = tpu.matmul %get3A_1, %get3A_4, %dot_general3A {dimension_numbers = #tpu.dot_dimension_numbers<[1], [0], [0], [1], [0, 0, 1, 1], [], []>, transpose_lhs_hint = false} : vector<1000x128xf32>, vector<128x128xf32>, vector<1000x128xf32> -> vector<1000x128xf32>
    %broadcast_in_dim3A = vector.shape_cast %dot_general3A_5 : vector<1000x128xf32> to vector<1x1000x128xf32>
    %swap3A = arith.constant 0 : index
    %swap3A_6 = arith.constant 0 : index
    %swap3A_7 = arith.constant 0 : index
    %swap3A_8 = vector.load %arg5[%swap3A, %swap3A_6, %swap3A_7] : memref<1x1000x128xf32, #tpu.memory_space<vmem>>, vector<1x1000x128xf32>
    tpu.vector_store %arg5[%swap3A, %swap3A_6, %swap3A_7], %broadcast_in_dim3A {strides = array<i32>} : memref<1x1000x128xf32, #tpu.memory_space<vmem>>, vector<1x1000x128xf32>,
    %get3A_9 = arith.constant 0 : index
    %get3A_10 = arith.constant 0 : index
    %get3A_11 = vector.load %arg4[%get3A_9, %get3A_10] : memref<128x128xf32, #tpu.memory_space<vmem>>, vector<128x128xf32>
    %dot_general3A_12 = arith.constant dense<0.000000e+00> : vector<1000x128xf32>
    %dot_general3A_13 = tpu.matmul %get3A_1, %get3A_11, %dot_general3A_12 {dimension_numbers = #tpu.dot_dimension_numbers<[1], [0], [0], [1], [0, 0, 1, 1], [], []>, transpose_lhs_hint = false} : vector<1000x128xf32>, vector<128x128xf32>, vector<1000x128xf32> -> vector<1000x128xf32>
    %broadcast_in_dim3A_14 = vector.shape_cast %dot_general3A_13 : vector<1000x128xf32> to vector<1x1000x128xf32>
    %swap3A_15 = arith.constant 0 : index
    %swap3A_16 = arith.constant 0 : index
    %swap3A_17 = arith.constant 0 : index
    %swap3A_18 = vector.load %arg6[%swap3A_15, %swap3A_16, %swap3A_17] : memref<1x1000x128xf32, #tpu.memory_space<vmem>>, vector<1x1000x128xf32>
    tpu.vector_store %arg6[%swap3A_15, %swap3A_16, %swap3A_17], %broadcast_in_dim3A_14 {strides = array<i32>} : memref<1x1000x128xf32, #tpu.memory_space<vmem>>, vector<1x1000x128xf32>,
    return
  }
  func.func @transform_0(%arg0: i32, %arg1: i32) -> (i32, i32) {
    %c0_i32 = arith.constant 0 : i32
    %c0_i32_0 = arith.constant 0 : i32
    return %arg1, %c0_i32 : i32, i32
  }
  func.func @transform_1(%arg0: i32, %arg1: i32) -> (i32, i32) {
    %c0_i32 = arith.constant 0 : i32
    %c0_i32_0 = arith.constant 0 : i32
    return %c0_i32, %arg0 : i32, i32
  }
  func.func @transform_2(%arg0: i32, %arg1: i32) -> (i32, i32) {
    %c0_i32 = arith.constant 0 : i32
    %c0_i32_0 = arith.constant 0 : i32
    return %c0_i32, %arg0 : i32, i32
  }
  func.func @transform_3(%arg0: i32, %arg1: i32) -> (i32, i32, i32) {
    %c0_i32 = arith.constant 0 : i32
    %c0_i32_0 = arith.constant 0 : i32
    return %arg0, %arg1, %c0_i32 : i32, i32, i32
  }
  func.func @transform_4(%arg0: i32, %arg1: i32) -> (i32, i32, i32) {
    %c0_i32 = arith.constant 0 : i32
    %c0_i32_0 = arith.constant 0 : i32
    return %arg0, %arg1, %c0_i32 : i32, i32, i32
  }
}

module attributes {stable_mosaic.version = 14 : i64} {
  func.func @_wt_body(%arg0: memref<256x256xf32, #tpu.memory_space<vmem>>, %arg1: memref<256x256xf32, #tpu.memory_space<vmem>>, %arg2: memref<1x256xf32, #tpu.memory_space<vmem>>, %arg3: memref<256x256xf32, #tpu.memory_space<vmem>>, %arg4: memref<1x256xf32, #tpu.memory_space<vmem>>) attributes {dimension_semantics = [], scalar_prefetch = 0 : i64, scratch_operands = 0 : i64, tpu.core_type = #tpu.core_type<tc>} {
    %get3A = arith.constant 0 : index
    %get3A_0 = arith.constant 0 : index
    %get3A_1 = vector.load %arg1[%get3A, %get3A_0] : memref<256x256xf32, #tpu.memory_space<vmem>>, vector<256x256xf32>
    %get3A_2 = arith.constant 0 : index
    %get3A_3 = arith.constant 0 : index
    %get3A_4 = vector.load %arg0[%get3A_2, %get3A_3] : memref<256x256xf32, #tpu.memory_space<vmem>>, vector<256x256xf32>
    %dot_general3A = arith.constant dense<0.000000e+00> : vector<256x256xf32>
    %dot_general3A_5 = tpu.matmul %get3A_4, %get3A_1, %dot_general3A {dimension_numbers = #tpu.dot_dimension_numbers<[1], [0], [0], [1], [0, 0, 1, 1], [], []>, transpose_lhs_hint = false} : vector<256x256xf32>, vector<256x256xf32>, vector<256x256xf32> -> vector<256x256xf32>
    %swap3A = arith.constant 0 : index
    %swap3A_6 = arith.constant 0 : index
    %swap3A_7 = vector.load %arg3[%swap3A, %swap3A_6] : memref<256x256xf32, #tpu.memory_space<vmem>>, vector<256x256xf32>
    tpu.vector_store %arg3[%swap3A, %swap3A_6], %dot_general3A_5 {strides = array<i32>} : memref<256x256xf32, #tpu.memory_space<vmem>>, vector<256x256xf32>,
    %get3A_8 = arith.constant 0 : index
    %get3A_9 = arith.constant 0 : index
    %get3A_10 = vector.load %arg2[%get3A_8, %get3A_9] : memref<1x256xf32, #tpu.memory_space<vmem>>, vector<1x256xf32>
    %dot_general3A_11 = arith.constant dense<0.000000e+00> : vector<1x256xf32>
    %dot_general3A_12 = tpu.matmul %get3A_10, %get3A_1, %dot_general3A_11 {dimension_numbers = #tpu.dot_dimension_numbers<[1], [0], [0], [1], [0, 0, 1, 1], [], []>, transpose_lhs_hint = false} : vector<1x256xf32>, vector<256x256xf32>, vector<1x256xf32> -> vector<1x256xf32>
    %swap3A_13 = arith.constant 0 : index
    %swap3A_14 = arith.constant 0 : index
    %swap3A_15 = vector.load %arg4[%swap3A_13, %swap3A_14] : memref<1x256xf32, #tpu.memory_space<vmem>>, vector<1x256xf32>
    tpu.vector_store %arg4[%swap3A_13, %swap3A_14], %dot_general3A_12 {strides = array<i32>} : memref<1x256xf32, #tpu.memory_space<vmem>>, vector<1x256xf32>,
    return
  }
}

module attributes {stable_mosaic.version = 14 : i64} {
  func.func @_post_body(%arg0: i32, %arg1: memref<1000x128xf32, #tpu.memory_space<vmem>>, %arg2: memref<1000x128xf32, #tpu.memory_space<vmem>>, %arg3: memref<1000x128xf32, #tpu.memory_space<vmem>>, %arg4: memref<1000x1xf32, #tpu.memory_space<vmem>>, %arg5: memref<128x256xf32, #tpu.memory_space<vmem>>, %arg6: memref<128x256xf32, #tpu.memory_space<vmem>>, %arg7: memref<128x256xf32, #tpu.memory_space<vmem>>, %arg8: memref<1x256xf32, #tpu.memory_space<vmem>>, %arg9: memref<1x256xf32, #tpu.memory_space<vmem>>, %arg10: memref<256x128xf32, #tpu.memory_space<vmem>>, %arg11: memref<1x128xf32, #tpu.memory_space<vmem>>, %arg12: memref<1000x128xf32, #tpu.memory_space<vmem>>) attributes {dimension_semantics = [#tpu.dimension_semantics<arbitrary>], iteration_bounds = array<i64: 10>, scalar_prefetch = 0 : i64, scratch_operands = 0 : i64, tpu.core_type = #tpu.core_type<tc>, window_params = [{transform_indices = @transform_0, window_bounds = array<i64: 1000, 128>}, {transform_indices = @transform_1, window_bounds = array<i64: 1000, 128>}, {transform_indices = @transform_2, window_bounds = array<i64: 1000, 128>}, {transform_indices = @transform_3, window_bounds = array<i64: 1000, 1>}, {pipeline_mode = #tpu.pipeline_mode<synchronous>, transform_indices = @transform_4, window_bounds = array<i64: 128, 256>}, {pipeline_mode = #tpu.pipeline_mode<synchronous>, transform_indices = @transform_5, window_bounds = array<i64: 128, 256>}, {pipeline_mode = #tpu.pipeline_mode<synchronous>, transform_indices = @transform_6, window_bounds = array<i64: 128, 256>}, {pipeline_mode = #tpu.pipeline_mode<synchronous>, transform_indices = @transform_7, window_bounds = array<i64: 1, 256>}, {pipeline_mode = #tpu.pipeline_mode<synchronous>, transform_indices = @transform_8, window_bounds = array<i64: 1, 256>}, {pipeline_mode = #tpu.pipeline_mode<synchronous>, transform_indices = @transform_9, window_bounds = array<i64: 256, 128>}, {pipeline_mode = #tpu.pipeline_mode<synchronous>, transform_indices = @transform_10, window_bounds = array<i64: 1, 128>}, {transform_indices = @transform_11, window_bounds = array<i64: 1000, 128>}]} {
    %get3A = arith.constant 0 : index
    %get3A_0 = arith.constant 0 : index
    %get3A_1 = vector.load %arg1[%get3A, %get3A_0] : memref<1000x128xf32, #tpu.memory_space<vmem>>, vector<1000x128xf32>
    %get3A_2 = arith.constant 0 : index
    %get3A_3 = arith.constant 0 : index
    %get3A_4 = vector.load %arg5[%get3A_2, %get3A_3] : memref<128x256xf32, #tpu.memory_space<vmem>>, vector<128x256xf32>
    %dot_general3A = arith.constant dense<0.000000e+00> : vector<1000x256xf32>
    %dot_general3A_5 = tpu.matmul %get3A_1, %get3A_4, %dot_general3A {dimension_numbers = #tpu.dot_dimension_numbers<[1], [0], [0], [1], [0, 0, 1, 1], [], []>, transpose_lhs_hint = false} : vector<1000x128xf32>, vector<128x256xf32>, vector<1000x256xf32> -> vector<1000x256xf32>
    %get3A_6 = arith.constant 0 : index
    %get3A_7 = arith.constant 0 : index
    %get3A_8 = vector.load %arg2[%get3A_6, %get3A_7] : memref<1000x128xf32, #tpu.memory_space<vmem>>, vector<1000x128xf32>
    %get3A_9 = arith.constant 0 : index
    %get3A_10 = arith.constant 0 : index
    %get3A_11 = vector.load %arg6[%get3A_9, %get3A_10] : memref<128x256xf32, #tpu.memory_space<vmem>>, vector<128x256xf32>
    %dot_general3A_12 = arith.constant dense<0.000000e+00> : vector<1000x256xf32>
    %dot_general3A_13 = tpu.matmul %get3A_8, %get3A_11, %dot_general3A_12 {dimension_numbers = #tpu.dot_dimension_numbers<[1], [0], [0], [1], [0, 0, 1, 1], [], []>, transpose_lhs_hint = false} : vector<1000x128xf32>, vector<128x256xf32>, vector<1000x256xf32> -> vector<1000x256xf32>
    %add3A = arith.addf %dot_general3A_5, %dot_general3A_13 : vector<1000x256xf32>
    %get3A_14 = arith.constant 0 : index
    %get3A_15 = arith.constant 0 : index
    %get3A_16 = vector.load %arg3[%get3A_14, %get3A_15] : memref<1000x128xf32, #tpu.memory_space<vmem>>, vector<1000x128xf32>
    %get3A_17 = arith.constant 0 : index
    %get3A_18 = arith.constant 0 : index
    %get3A_19 = vector.load %arg7[%get3A_17, %get3A_18] : memref<128x256xf32, #tpu.memory_space<vmem>>, vector<128x256xf32>
    %dot_general3A_20 = arith.constant dense<0.000000e+00> : vector<1000x256xf32>
    %dot_general3A_21 = tpu.matmul %get3A_16, %get3A_19, %dot_general3A_20 {dimension_numbers = #tpu.dot_dimension_numbers<[1], [0], [0], [1], [0, 0, 1, 1], [], []>, transpose_lhs_hint = false} : vector<1000x128xf32>, vector<128x256xf32>, vector<1000x256xf32> -> vector<1000x256xf32>
    %add3A_22 = arith.addf %add3A, %dot_general3A_21 : vector<1000x256xf32>
    %get3A_23 = arith.constant 0 : index
    %get3A_24 = arith.constant 0 : index
    %get3A_25 = vector.load %arg4[%get3A_23, %get3A_24] : memref<1000x1xf32, #tpu.memory_space<vmem>>, vector<1000x1xf32>
    %get3A_26 = arith.constant 0 : index
    %get3A_27 = arith.constant 0 : index
    %get3A_28 = vector.load %arg8[%get3A_26, %get3A_27] : memref<1x256xf32, #tpu.memory_space<vmem>>, vector<1x256xf32>
    %mul3A = vector.broadcast %get3A_25 : vector<1000x1xf32> to vector<1000x256xf32>
    %mul3A_29 = vector.broadcast %get3A_28 : vector<1x256xf32> to vector<1000x256xf32>
    %mul3A_30 = arith.mulf %mul3A, %mul3A_29 : vector<1000x256xf32>
    %add3A_31 = arith.addf %add3A_22, %mul3A_30 : vector<1000x256xf32>
    %get3A_32 = arith.constant 0 : index
    %get3A_33 = arith.constant 0 : index
    %get3A_34 = vector.load %arg9[%get3A_32, %get3A_33] : memref<1x256xf32, #tpu.memory_space<vmem>>, vector<1x256xf32>
    %add3A_35 = vector.broadcast %get3A_34 : vector<1x256xf32> to vector<1000x256xf32>
    %add3A_36 = arith.addf %add3A_31, %add3A_35 : vector<1000x256xf32>
    %max3A = arith.constant 0.000000e+00 : f32
    %max3A_37 = vector.broadcast %max3A : f32 to vector<1000x256xf32>
    %max3A_38 = arith.maximumf %add3A_36, %max3A_37 : vector<1000x256xf32>
    %get3A_39 = arith.constant 0 : index
    %get3A_40 = arith.constant 0 : index
    %get3A_41 = vector.load %arg10[%get3A_39, %get3A_40] : memref<256x128xf32, #tpu.memory_space<vmem>>, vector<256x128xf32>
    %dot_general3A_42 = arith.constant dense<0.000000e+00> : vector<1000x128xf32>
    %dot_general3A_43 = tpu.matmul %max3A_38, %get3A_41, %dot_general3A_42 {dimension_numbers = #tpu.dot_dimension_numbers<[1], [0], [0], [1], [0, 0, 1, 1], [], []>, transpose_lhs_hint = false} : vector<1000x256xf32>, vector<256x128xf32>, vector<1000x128xf32> -> vector<1000x128xf32>
    %get3A_44 = arith.constant 0 : index
    %get3A_45 = arith.constant 0 : index
    %get3A_46 = vector.load %arg11[%get3A_44, %get3A_45] : memref<1x128xf32, #tpu.memory_space<vmem>>, vector<1x128xf32>
    %add3A_47 = vector.broadcast %get3A_46 : vector<1x128xf32> to vector<1000x128xf32>
    %add3A_48 = arith.addf %dot_general3A_43, %add3A_47 : vector<1000x128xf32>
    %swap3A = arith.constant 0 : index
    %swap3A_49 = arith.constant 0 : index
    %swap3A_50 = vector.load %arg12[%swap3A, %swap3A_49] : memref<1000x128xf32, #tpu.memory_space<vmem>>, vector<1000x128xf32>
    tpu.vector_store %arg12[%swap3A, %swap3A_49], %add3A_48 {strides = array<i32>} : memref<1000x128xf32, #tpu.memory_space<vmem>>, vector<1000x128xf32>,
    return
  }
  func.func @transform_0(%arg0: i32) -> (i32, i32) {
    %c0_i32 = arith.constant 0 : i32
    %c0_i32_0 = arith.constant 0 : i32
    return %arg0, %c0_i32 : i32, i32
  }
  func.func @transform_1(%arg0: i32) -> (i32, i32) {
    %c0_i32 = arith.constant 0 : i32
    %c0_i32_0 = arith.constant 0 : i32
    return %arg0, %c0_i32 : i32, i32
  }
  func.func @transform_2(%arg0: i32) -> (i32, i32) {
    %add3A = arith.constant 10 : i32
    %add3A_0 = arith.addi %add3A, %arg0 : i32
    %c0_i32 = arith.constant 0 : i32
    %c0_i32_1 = arith.constant 0 : i32
    return %add3A_0, %c0_i32 : i32, i32
  }
  func.func @transform_3(%arg0: i32) -> (i32, i32) {
    %c0_i32 = arith.constant 0 : i32
    %c0_i32_0 = arith.constant 0 : i32
    return %arg0, %c0_i32 : i32, i32
  }
  func.func @transform_4(%arg0: i32) -> (i32, i32) {
    %c0_i32 = arith.constant 0 : i32
    %c0_i32_0 = arith.constant 0 : i32
    %c0_i32_1 = arith.constant 0 : i32
    return %c0_i32, %c0_i32_0 : i32, i32
  }
  func.func @transform_5(%arg0: i32) -> (i32, i32) {
    %c0_i32 = arith.constant 0 : i32
    %c0_i32_0 = arith.constant 0 : i32
    %c0_i32_1 = arith.constant 0 : i32
    return %c0_i32, %c0_i32_0 : i32, i32
  }
  func.func @transform_6(%arg0: i32) -> (i32, i32) {
    %c0_i32 = arith.constant 0 : i32
    %c0_i32_0 = arith.constant 0 : i32
    %c0_i32_1 = arith.constant 0 : i32
    return %c0_i32, %c0_i32_0 : i32, i32
  }
  func.func @transform_7(%arg0: i32) -> (i32, i32) {
    %c0_i32 = arith.constant 0 : i32
    %c0_i32_0 = arith.constant 0 : i32
    %c0_i32_1 = arith.constant 0 : i32
    return %c0_i32, %c0_i32_0 : i32, i32
  }
  func.func @transform_8(%arg0: i32) -> (i32, i32) {
    %c0_i32 = arith.constant 0 : i32
    %c0_i32_0 = arith.constant 0 : i32
    %c0_i32_1 = arith.constant 0 : i32
    return %c0_i32, %c0_i32_0 : i32, i32
  }
  func.func @transform_9(%arg0: i32) -> (i32, i32) {
    %c0_i32 = arith.constant 0 : i32
    %c0_i32_0 = arith.constant 0 : i32
    %c0_i32_1 = arith.constant 0 : i32
    return %c0_i32, %c0_i32_0 : i32, i32
  }
  func.func @transform_10(%arg0: i32) -> (i32, i32) {
    %c0_i32 = arith.constant 0 : i32
    %c0_i32_0 = arith.constant 0 : i32
    %c0_i32_1 = arith.constant 0 : i32
    return %c0_i32, %c0_i32_0 : i32, i32
  }
  func.func @transform_11(%arg0: i32) -> (i32, i32) {
    %c0_i32 = arith.constant 0 : i32
    %c0_i32_0 = arith.constant 0 : i32
    return %arg0, %c0_i32 : i32, i32
  }
}

</mosaic_0001>

<sc_bundles>
// kernel: kernel.7.cloned.1.call-start
scs
__scs_entry_jumppad:
0x0: {  	(pc) =	sbr.rel $0x88, $3  }
0x1: {  	(tag) =	ssettag $0x0;
	lr =	simm.s32 $0x1  }
0x2: {  	[smem:$0x3F96] =	sst lr;
	_ =	strace $0xD0000000  }
0x3: {  	_ = 	snop  }
0x4: {  	_ = 	snop  }
0x5: {  	_ = 	snop  }
0x6: {  	_ = 	snop  }
0x7: {  	_ = 	snop  }
__scs_overlays_trampoline_lowered:
0x8: {  	[smem:$0x3FA5] =	sst s0  }
0x9: {  	[smem:$0x3FA6] =	sst s1  }
0xa: {  	[smem:$0x3FA7] =	sst s2  }
0xb: {  	[smem:$0x3FA8] =	sst s3  }
0xc: {  	[smem:$0x3FA9] =	sst s4  }
0xd: {  	[smem:$0x3FAA] =	sst s5  }
0xe: {  	[smem:$0x3FAB] =	sst s6  }
0xf: {  	[smem:$0x3FAC] =	sst s7  }
0x10: {  	[smem:$0x3FAD] =	sst s8  }
0x11: {  	[smem:$0x3FAE] =	sst s9;
	s0 =	simm.s32 @!p0 $0x0  }
0x12: {  	s1 =	sld [smem:$0x3F94];
	s0 =	simm.s32 @p0 $0x1  }
0x13: {  	[smem:$0x3FAF] =	sst s0;
	s0 =	simm.s32 @!p1 $0x0  }
0x14: {  	s2 =	sld [smem:$0x3F93];
	s0 =	simm.s32 @p1 $0x1  }
0x15: {  	[smem:$0x3FB0] =	sst s0;
	s0 =	simm.s32 @!p2 $0x0  }
0x16: {  	s3 =	sld [smem:$0x3FDB];
	s0 =	simm.s32 @p2 $0x1  }
0x17: {  	s4 =	simm.s32 $0x1BF5;
	[smem:$0x3FB2] =	sst s0  }
0x18: {  	s0 =	sld [smem:$0x3F95];
	_ =	swait.ge [sflag:s4], $0x0  }
0x19: {  	s7 =	sld [smem:$0x3F96]  }
0x1a: {  	s8 =	sadd.s32 $0xFFFFE003, lr  }
0x1b: {  	s9 =	sadd.s32 $0xFFFFFEF7, lr;
	s5 =	simm.s32 $0xFFFFFFFF;
	p2 =	slt.u32 s8, $0xFFFFF086  }
0x1c: {  	p1 =	slt.u32 s9, $0xF7A;
	s5 =	simm.s32 @!p2 $0x0  }
0x1d: {  	s5 =	simm.s32 @p1 $0x1;
	p0 =	seq.s32 s7, s2  }
0x1e: {  	s7 =	smul.u32 @!p0 $0xF7A, s2;
	p2 =	seq.s32 @!p0 s5, $0x0  }
0x1f: {  	s9 =	smul.u32 $0xF7A, s1;
	s8 =	simm.s32 @!p0 $0x1BF5;
	p2 =	por !p2, p0  }
0x20: {  	[sflag:s8] =	ssyncset.s32 @!p0 $0xFFFFF086;
	s6 =	sadd.s32 @!p0 s3, s7;
	s7 =	simm.s32 @!p0 $0x108  }
0x21: {  	s3 =	sadd.s32 s3, s9;
	s6 =	sadd.s32 @!p0 $0x88, s6;
	s7 =	simm.s32 @p2 $0x1082  }
0x22: {  	[simem:s7], [sflag:s8] =	dma.local @!p0 [hbm:s6], $0xF7A  }
0x23: {  	s9 =	sor.u32 $0xD0000000, s2;
	s6 =	simm.s32 $0x108;
	_ =	swait.ge @!p0 [sflag:s8], $0x0  }
0x24: {  	s3 =	sadd.s32 $0x88, s3;
	s6 =	simm.s32 @!p1 $0x1082;
	[sflag:s4] =	ssyncset.s32 $0xFFFFF086  }
0x25: {  	[simem:s6], [sflag:s4] =	dma.local [hbm:s3], $0xF7A  }
0x26: {  	[smem:$0x3F96] =	sst s1;
	(tag) =	ssettag s2;
	_ =	strace s9  }
0x27: {  	s1 =	sld [smem:$0x3FA6]  }
0x28: {  	s2 =	sld [smem:$0x3FA7]  }
0x29: {  	s4 =	sld [smem:$0x3FA9]  }
0x2a: {  	p0 =	seq.s32 s5, $0x0;
	s5 =	sld [smem:$0x3FAA]  }
0x2b: {  	s6 =	sld [smem:$0x3FAB]  }
0x2c: {  	s7 =	sld [smem:$0x3FAC]  }
0x2d: {  	s3 =	simm.s32 $0x108;
	s8 =	sld [smem:$0x3FAD]  }
0x2e: {  	s3 =	simm.s32 @!p0 $0x1082;
	s9 =	sld [smem:$0x3FAE]  }
0x2f: {  	lr =	sadd.s32 s0, s3;
	s0 =	sld [smem:$0x3FA5]  }
0x30: {  	s3 =	sld [smem:$0x3FA8]  }
0x31: {  	[smem:$0x3FB1] =	sst s10  }
0x32: {  	s10 =	sld [smem:$0x3FAF];
	_ =	sdelay $0x3  }
0x33: {  	p0 =	seq.s32 s10, $0x1;
	s10 =	sld [smem:$0x3FB1];
	_ =	sdelay $0x3  }
0x34: {  	[smem:$0x3FB1] =	sst s10  }
0x35: {  	s10 =	sld [smem:$0x3FB0];
	_ =	sdelay $0x3  }
0x36: {  	p1 =	seq.s32 s10, $0x1;
	s10 =	sld [smem:$0x3FB1];
	_ =	sdelay $0x3  }
0x37: {  	[smem:$0x3FB1] =	sst s10  }
0x38: {  	s10 =	sld [smem:$0x3FB2]  }
0x39: {  	_ = 	snop;
	(pc) =	sbr.ind lr, $3  }
0x3a: {  	_ = 	snop  }
0x3b: {  	_ = 	snop  }
0x3c: {  	p2 =	seq.s32 s10, $0x1;
	s10 =	sld [smem:$0x3FB1]  }
0x3d: {  	_ =	shalt  }
0x3e: {  	_ =	shalt  }
0x3f: {  	_ =	shalt  }
0x40: {  	_ =	shalt  }
0x41: {  	_ =	shalt  }
0x42: {  	_ =	shalt  }
0x43: {  	_ =	shalt  }
0x44: {  	_ =	shalt  }
0x45: {  	_ =	shalt  }
0x46: {  	_ =	shalt  }
0x47: {  	_ =	shalt  }
0x48: {  	_ =	shalt  }
0x49: {  	_ =	shalt  }
0x4a: {  	_ =	shalt  }
0x4b: {  	_ =	shalt  }
0x4c: {  	_ =	shalt  }
0x4d: {  	_ =	shalt  }
0x4e: {  	_ =	shalt  }
0x4f: {  	_ =	shalt  }
0x50: {  	_ =	shalt  }
0x51: {  	_ =	shalt  }
0x52: {  	_ =	shalt  }
0x53: {  	_ =	shalt  }
0x54: {  	_ =	shalt  }
0x55: {  	_ =	shalt  }
0x56: {  	_ =	shalt  }
0x57: {  	_ =	shalt  }
0x58: {  	_ =	shalt  }
0x59: {  	_ =	shalt  }
0x5a: {  	_ =	shalt  }
0x5b: {  	_ =	shalt  }
0x5c: {  	_ =	shalt  }
0x5d: {  	_ =	shalt  }
0x5e: {  	_ =	shalt  }
0x5f: {  	_ =	shalt  }
0x60: {  	_ =	shalt  }
0x61: {  	_ =	shalt  }
0x62: {  	_ =	shalt  }
0x63: {  	_ =	shalt  }
0x64: {  	_ =	shalt  }
0x65: {  	_ =	shalt  }
0x66: {  	_ =	shalt  }
0x67: {  	_ =	shalt  }
0x68: {  	_ =	shalt  }
0x69: {  	_ =	shalt  }
0x6a: {  	_ =	shalt  }
0x6b: {  	_ =	shalt  }
0x6c: {  	_ =	shalt  }
0x6d: {  	_ =	shalt  }
0x6e: {  	_ =	shalt  }
0x6f: {  	_ =	shalt  }
0x70: {  	_ =	shalt  }
0x71: {  	_ =	shalt  }
0x72: {  	_ =	shalt  }
0x73: {  	_ =	shalt  }
0x74: {  	_ =	shalt  }
0x75: {  	_ =	shalt  }
0x76: {  	_ =	shalt  }
0x77: {  	_ =	shalt  }
0x78: {  	_ =	shalt  }
0x79: {  	_ =	shalt  }
0x7a: {  	_ =	shalt  }
0x7b: {  	_ =	shalt  }
0x7c: {  	_ =	shalt  }
0x7d: {  	_ =	shalt  }
0x7e: {  	_ =	shalt  }
0x7f: {  	_ =	shalt  }
0x80: {  	_ =	shalt  }
0x81: {  	_ =	shalt  }
0x82: {  	_ =	shalt  }
0x83: {  	_ =	shalt  }
0x84: {  	_ =	shalt  }
0x85: {  	_ =	shalt  }
0x86: {  	_ =	shalt  }
0x87: {  	_ =	shalt  }
.Lfunc_end0:
.L_simem_size_0:
called_computation_lowered:
.L_overlay_start_0:
0x88: {  	s2 =	sld [smem:$0x3FD9]  }
0x89: {  	s3 =	sld [smem:$0x3FFE];
	_ =	sdelay $0x1  }
0x8a: {  	s1 =	srdreg.scid  }
0x8b: {  	s0 =	sand.u32 $0x1, s1  }
0x8c: {  	s17 =	sshll.u32 s0, $0xA;
	s2 =	sadd.s32 s3, s2  }
0x8d: {  	s2 =	sadd.s32 s2, s17  }
0x8e: {  	[smem:$0x3FBD] =	sst s2  }
0x8f: {  	_ = 	snop  }
0x90: {  	s2 =	sld [smem:$0x3FD0];
	(tm) =	ssettm $0x1  }
0x91: {  	s18 =	sld [smem:$0x3FFB];
	_ =	sdelay $0x3  }
0x92: {  	_ =	strace s18  }
0x93: {  	s3 =	sld [smem:$0x3FFC];
	_ =	sdelay $0x3  }
0x94: {  	_ =	strace s3  }
0x95: {  	s3 =	sld [smem:$0x3FFD];
	_ =	sdelay $0x3  }
0x96: {  	_ =	strace s3  }
0x97: {  	_ =	strace $0x8FFFFFFF  }
0x98: {  	s19 =	sld [smem:$0x3FDB];
	_ =	sdelay $0x1  }
0x99: {  	s4 =	simm.s32 $_scs_section_size  }
0x9a: {  	s5 =	simm.s32 $_size__tile_overlayer_lowered;
	s6 =	simm.s32 $_tile_overlayer_lowered  }
0x9b: {  	s22 =	simm.s32 $0x1BFF;
	s21 =	sshll.u32 s6, $0x1;
	s3 =	sadd.s32 s4, s19  }
0x9c: {  	s7 =	simm.s32 $0x0;
	s20 =	sshll.u32 s5, $0x1;
	s5 =	sadd.s32 s21, s3  }
0x9d: {  	[timem:s7], [sflag:s22] =	dma.local [hbm:s5], s20  }
0x9e: {  	_ =	swait.ge [sflag:s22], s20  }
0x9f: {  	s4 =	ssub.s32 $0x0, s20;
	[sflag:s22] =	ssyncset.done $0x0  }
0xa0: {  	[sflag:s22] =	ssyncadd.s32 s4;
	_ =	sdelay $0x1  }
0xa1: {  	s23 =	simm.s32 $0x1B8B  }
0xa2: {  	_ =	swait.ge [sflag:s23], $0x1  }
0xa3: {  	[sflag:s23] =	ssyncset.done $0x0  }
0xa4: {  	s25 =	simm.s32 $0x1B8E;
	s24 =	sld [smem:$0x3FFE];
	[sflag:s23] =	ssyncadd.s32 $0xFFFFFFFF  }
0xa5: {  	s26 =	simm.s32 $execute0_lowered;
	[smem:$0x3FD2] =	sst s25  }
0xa6: {  	s5 =	sshll.u32 s26, $0x1;
	_ =	strace $0x80000046;
	[dreg:$0x1] =	wrdreg $0xFFFFFFFF  }
0xa7: {  	s28 =	simm.s32 $_size_execute0_lowered;
	s3 =	sadd.s32 s3, s5;
	[dreg:$0x0] =	wrdreg $0x0  }
0xa8: {  	s5 =	sshll.u32 s28, $0x1;
	[dreg:$0x2] =	wrdreg s3  }
0xa9: {  	[dreg:$0x3] =	wrdreg s5  }
0xaa: {  	[dreg:$0x4] =	wrdreg $0xC0  }
0xab: {  	_ =	task [dreg:s7], $0x5FFFF  }
0xac: {  	[dreg:$0x1] =	wrdreg $0xFFFFFFFF  }
0xad: {  	[dreg:$0x0] =	wrdreg $0x60  }
0xae: {  	[dreg:$0x2] =	wrdreg s24  }
0xaf: {  	[dreg:$0x3] =	wrdreg s2  }
0xb0: {  	[dreg:$0x4] =	wrdreg $0xC3800  }
0xb1: {  	[dreg:$0x5] =	wrdreg $0x1FC000  }
0xb2: {  	[dreg:$0x6] =	wrdreg $0x9  }
0xb3: {  	_ =	task.clear_ibuf [dreg:s7], $0x7FFFF;
	_ =	strace $0x90000046  }
0xb4: {  	s29 =	simm.s32 $0x9;
	_ =	strace $0x80000048  }
0xb5: {  	_ =	swait.ge [sflag:s29], $0x1  }
0xb6: {  	[sflag:s29] =	ssyncadd.s32 $0xFFFFFFFF  }
0xb7: {  	_ =	strace $0x90000048  }
0xb8: {  	_ =	sfence  }
0xb9: {  	s30 =	sld [smem:$0x0];
	_ =	sdelay $0x2  }
0xba: {  	s31 =	sshll.u32 s1, $0xD;
	s1 =	sshrl.u32 s1, $0x2  }
0xbb: {  	s3 =	sand.u32 $0x4000, s31;
	s1 =	sadd.s32 s1, s30  }
0xbc: {  	s0 =	sor.u32 s3, s0;
	s1 =	sshll.u32 s1, $0x11  }
0xbd: {  	s0 =	sor.u32 s1, s0  }
0xbe: {  	s0 =	sadd.s32 $0x8F2B, s0  }
0xbf: {  	[sflag:s0] =	ssyncadd.remote.s32 $0x1  }
0xc0: {  	_ =	sfence.sel $0xFFFF  }
0xc1: {  	[dreg:$0x0] =	wrdreg $0xFFFFFFFF;
	(pc) =	sbr.abs _section_cstart, $3  }
0xc2: {  	[dreg:$0x1] =	wrdreg $0xFFFFFFFF  }
0xc3: {  	_ =	task.clear_ibuf [dreg:s7], $0x2FFFF;
	_ =	strace $0x9FFFFFFF  }
0xc4: {  	(tm) =	ssettm $0x7FFFFFFF  }
0xc5: {  	_ =	shalt  }
tec
execute0_lowered:
.L_overlay_start_1:
0x0: {  	(tag) =	ssettag $0x1  }
0x1: {  	s0 =	rddreg [dreg:$0x0]  }
0x2: {  	s1 =	rddreg [dreg:$0x1]  }
0x3: {  	s2 =	rddreg [dreg:$0x2]  }
0x4: {  	s3 =	rddreg [dreg:$0x3];
	s4 =	simm.s32 $0x0  }
0x5: {  	s15 =	srdreg.scid;
	s18 =	stileid.u32;
	s29 =	simm.s32 $0x6  }
0x6: {  	s30 =	simm.s32 $0x7;
	[smem:$0x7FF] =	sst s4;
	s6 =	sadd.s32 $0x4EDE00, s0  }
0x7: {  	s5 =	sadd.s32 $0x53C000, s0;
	s7 =	sadd.s32 $0x58A200, s0;
	s8 =	sadd.s32 $0x4E4000, s0  }
0x8: {  	s9 =	sadd.s32 $0x2000, s0;
	s14 =	sadd.s32 $0x4800, s0;
	s11 =	smul.u32 $0x4E000, s18  }
0x9: {  	s10 =	sadd.s32 $0x5400, s0;
	s0 =	sadd.s32 $0x4E00, s0;
	s12 =	smul.u32 $0x270, s18  }
0xa: {  	s20 =	sshll.u32 s18, $0x6;
	p2 =	seq.s32 s18, $0x0;
	p4 =	sgt.u32 s18, $0x7  }
0xb: {  	p5 =	sne.s32 s18, $0xF;
	_ =	strace $0x80000047;
	[dreg:$0x5] =	wrdreg s9  }
0xc: {  	s28 =	sadd.s32 $0x138000, s2;
	s31 =	sor.u32 $0x20, s18;
	[dreg:$0x6] =	wrdreg s14  }
0xd: {  	s9 =	sand.u32 $0x1, s15;
	[dreg:$0x7] =	wrdreg s0;
	s14 =	sshll.u32 s18, $0x3  }
0xe: {  	s26 =	sor.u32 $0x4E000, s20;
	p3 =	sne.s32 @!p2 s18, $0xF;
	s15 =	smul.u32 $0x4E200, s9  }
0xf: {  	[dreg:$0x13] =	wrdreg s28;
	s16 =	ssub.s32 $0x2, s9;
	s17 =	smul.u32 $0x4E2000, s9  }
0x10: {  	s11 =	sshrl.u32 s11, $0x2;
	s19 =	smul.u32 $0x2710, s9;
	s21 =	sor.u32 $0x80, s14  }
0x11: {  	s24 =	sor.u32 s9, s18;
	p1 =	sne.s32 s9, $0x0;
	p3 =	por p3, p2  }
0x12: {  	s13 =	sshrl.u32 s16, $0x1;
	s11 =	sadd.s32 s11, s2;
	s22 =	sadd.s32 s8, s21  }
0x13: {  	p0 =	sne.s32 s24, $0x0;
	s24 =	sadd.s32 s8, s14;
	s0 =	ssub.s32 s16, s13  }
0x14: {  	[dreg:$0x8] =	wrdreg s11;
	s16 =	sshll.u32 s18, $0xA;
	s11 =	sadd.s32 s7, s17  }
0x15: {  	s17 =	smul.u32 $0x138800, s9;
	s12 =	sadd.s32 s12, s19;
	[dreg:$0xa] =	wrdreg s22  }
0x16: {  	s25 =	sadd.s32 s20, s15;
	s13 =	sadd.s32 s15, s26;
	[dreg:$0x14] =	wrdreg s24  }
0x17: {  	s18 =	simm.s32 $0x3;
	s24 =	simm.s32 $0x4;
	s15 =	simm.s32 $0x0  }
0x18: {  	s11 =	sadd.s32 s16, s11;
	s12 =	sshll.u32 s12, $0x4;
	s16 =	sor.u32 $0x1C09, s20  }
0x19: {  	s20 =	smul.u32 $0x2710000, s9;
	s0 =	smax.u32 s0, $0x1;
	[dreg:$0x9] =	wrdreg s11  }
0x1a: {  	s23 =	sshrl.u32 s17, $0x3;
	s12 =	sadd.s32 s10, s12;
	[dreg:$0x12] =	wrdreg s0  }
0x1b: {  	s11 =	sadd.s32 s1, s21;
	s17 =	sshll.u32 s13, $0x4;
	[dreg:$0xd] =	wrdreg s16  }
0x1c: {  	s0 =	simm.s32 @!p4 $0x0;
	[dreg:$0xb] =	wrdreg s12;
	s10 =	sadd.s32 s10, s23  }
0x1d: {  	[dreg:$0xc] =	wrdreg s11;
	s11 =	sshll.u32 s25, $0x4;
	s12 =	sshrl.u32 s26, $0x3  }
0x1e: {  	s9 =	sadd.s32 s7, s17;
	s0 =	simm.s32 @p4 $0x1;
	s25 =	sadd.s32 s1, s14  }
0x1f: {  	s17 =	simm.s32 $0xA300;
	s21 =	sadd.s32 s8, s12;
	[dreg:$0x10] =	wrdreg s9  }
0x20: {  	s12 =	sadd.s32 s1, s12;
	s22 =	sadd.s32 $0x27000, s10;
	[smem:$0x7FD] =	sst s0  }
.Ltmp0:
0x21: {  	s23 =	sadd.s32 s7, s11;
	[dreg:$0x15] =	wrdreg s25;
	(pc) =	sbr.rel .LBB2_1-.Ltmp0, $4  }
0x22: {  	s0 =	simm.s32 $0x9;
	s11 =	simm.s32 $0x180;
	[dreg:$0xe] =	wrdreg s21  }
0x23: {  	s25 =	simm.s32 $0x5;
	s9 =	simm.s32 $0x8;
	[dreg:$0xf] =	wrdreg s12  }
0x24: {  	[dreg:$0x11] =	wrdreg s22;
	s26 =	sadd.s32 $0x4000, s23;
	s21 =	simm.s32 $0x40  }
0x25: {  	v1 =	vimm.f32 $1.000000000e+00;
	v0 =	vmov s19;
	s23 =	simm.s32 $0x4300;
	s22 =	simm.s32 $0x200;
	s12 =	simm.s32 $0x2  }
.LBB2_12:
0x26: {  	[bflag:$0x0] =	sbarrier.arrive $0xFFFF  }
0x27: {  	s10 =	rddreg [dreg:$0xb]  }
0x28: {  	s13 =	rddreg [dreg:$0x17]  }
0x29: {  	[hbm:s10], [sflag:s16] =	dma.local [spmem:s13], $0x2700  }
0x2a: {  	_ =	swait.ge [sflag:s0], $0x2700  }
0x2b: {  	[sflag:s0] =	ssyncset.done $0x0  }
0x2c: {  	s10 =	sshrl.u32 @!p5 s28, $0x3;
	s13 =	rddreg [dreg:$0x11];
	[sflag:s0] =	ssyncadd.s32 $0xFFFFD900  }
0x2d: {  	[hbm:s13], [sflag:s16] =	dma.local @!p5 [spmem:s10], $0x100  }
0x2e: {  	s10 =	simm.s32 @!p5 $0x9  }
0x2f: {  	_ =	swait.ge @!p5 [sflag:s10], $0x100  }
0x30: {  	[sflag:s10] =	ssyncset.done @!p5 $0x0  }
0x31: {  	s13 =	rddreg [dreg:$0x7];
	[sflag:s10] =	ssyncadd.s32 @!p5 $0xFFFFFF00;
	s10 =	sshrl.u32 @!p0 s3, $0x3  }
0x32: {  	[hbm:s13], [sflag:s16] =	dma.local @!p0 [spmem:s10], $0x4F0  }
0x33: {  	s10 =	simm.s32 @!p0 $0x9  }
0x34: {  	_ =	swait.ge @!p0 [sflag:s10], $0x4F0  }
0x35: {  	s15 =	sadd.s32 $0x1, s15;
	s19 =	rddreg [dreg:$0x12]  }
0x36: {  	p4 =	sne.s32 s15, s19  }
.Ltmp1:
0x37: {  	_ = 	snop;
	(pc) =	sbr.rel @!p4 .LBB2_13-.Ltmp1, $3  }
0x38: {  	_ =	sdelay $0x1  }
0x39: {  	[sflag:s10] =	ssyncset.done @!p0 $0x0  }
0x3a: {  	[sflag:s10] =	ssyncadd.s32 @!p0 $0xFFFFFB10  }
.LBB2_1:
0x3b: {  	[dreg:$0x16] =	wrdreg s15  }
0x3c: {  	s10 =	rddreg [dreg:$0x8]  }
0x3d: {  	s13 =	rddreg [dreg:$0x5];
	s10 =	sshrl.u32 s10, $0x3  }
0x3e: {  	[dreg:$0x17] =	wrdreg s10  }
0x3f: {  	[spmem:s10], [sflag:s16] =	dma.local [hbm:s13], $0x2700  }
0x40: {  	_ =	swait.ge [sflag:s0], $0x2700  }
0x41: {  	[sflag:s0] =	ssyncset.done $0x0  }
0x42: {  	s10 =	sshrl.u32 @p2 s3, $0x3;
	s15 =	rddreg [dreg:$0x6];
	[sflag:s0] =	ssyncadd.s32 $0xFFFFD900  }
0x43: {  	[spmem:s10], [sflag:s16] =	dma.local @p2 [hbm:s15], $0x4F0  }
0x44: {  	s10 =	simm.s32 @p2 $0x9  }
0x45: {  	_ =	swait.ge @p2 [sflag:s10], $0x4F0  }
0x46: {  	[sflag:s10] =	ssyncset.done @p2 $0x0  }
0x47: {  	[sflag:s10] =	ssyncadd.s32 @p2 $0xFFFFFB10;
	s10 =	sshrl.u32 @!p3 s28, $0x3  }
0x48: {  	[spmem:s10], [sflag:s16] =	dma.local @!p3 [hbm:s13], $0x100  }
0x49: {  	s10 =	simm.s32 @!p3 $0x9  }
0x4a: {  	_ =	swait.ge @!p3 [sflag:s10], $0x100  }
0x4b: {  	[sflag:s10] =	ssyncset.done @!p3 $0x0  }
0x4c: {  	[sflag:s10] =	ssyncadd.s32 @!p3 $0xFFFFFF00  }
0x4d: {  	[tilespmem:$0xC300] =	vst v1  }
0x4e: {  	[tilespmem:$0xC310] =	vst v1  }
0x4f: {  	[tilespmem:$0xC320] =	vst v1  }
0x50: {  	[tilespmem:$0xC330] =	vst v1  }
0x51: {  	[bflag:$0x0] =	sbarrier.arrive $0xFFFF  }
0x52: {  	s16 =	simm.s32 $0x80;
	s15 =	rddreg [dreg:$0x14]  }
0x53: {  	[tilespmem:s16], [sflag:$0x9] =	stream.linear.gather [hbm4b:s15+s4], $0x40, $0x38;
	[tilespmem:$0x1FE78] =	vst v63  }
0x54: {  	_ =	swait.ge [sflag:s0], $0x40  }
0x55: {  	[sflag:s0] =	ssyncset.done $0x0  }
0x56: {  	s19 =	rddreg [dreg:$0x15];
	[sflag:s0] =	ssyncadd.s32 $0xFFFFFFC0  }
0x57: {  	[tilespmem:s4], [sflag:$0x9] =	stream.linear.gather [hbm4b:s19+s4], $0x40, $0x38;
	[tilespmem:$0x1FE78] =	vst v63  }
0x58: {  	_ =	swait.ge [sflag:s0], $0x40  }
0x59: {  	[sflag:s0] =	ssyncset.done $0x0  }
0x5a: {  	[sflag:s0] =	ssyncadd.s32 $0xFFFFFFC0  }
0x5b: {  	v2 =	vld [tilespmem:$0x80]  }
0x5c: {  	v3 =	vld [tilespmem:$0x0]  }
0x5d: {  	v4 =	vld [tilespmem:$0x90]  }
0x5e: {  	v5 =	vld [tilespmem:$0x10]  }
0x5f: {  	v6 =	vld [tilespmem:$0xA0]  }
0x60: {  	v7 =	vld [tilespmem:$0x20];
	v2 =	vadd.s32 v0, v2  }
0x61: {  	[tilespmem:$0x80] =	vst v2;
	v2 =	vadd.s32 v0, v3;
	v3 =	vld [tilespmem:$0xB0]  }
0x62: {  	v63 =	vld [tilespmem:$0x30];
	[tilespmem:$0x100] =	vst v2;
	v2 =	vadd.s32 v0, v4  }
0x63: {  	[tilespmem:$0x90] =	vst v2;
	v2 =	vadd.s32 v0, v5  }
0x64: {  	[tilespmem:$0x110] =	vst v2;
	v2 =	vadd.s32 v0, v6  }
0x65: {  	[tilespmem:$0xA0] =	vst v2;
	v2 =	vadd.s32 v0, v7  }
0x66: {  	[tilespmem:$0x120] =	vst v2;
	v2 =	vadd.s32 v0, v3  }
0x67: {  	[tilespmem:$0xB0] =	vst v2;
	v2 =	vadd.s32 v0, v63  }
0x68: {  	s15 =	simm.s32 $0x300;
	[tilespmem:$0x130] =	vst v2  }
0x69: {  	[tilespmem:s15], [sflag:$0x3] =	stream.indirect.gather [hbm4b:s5+s21], $0x80, s16, s21, $0xb8;
	[tilespmem:$0x1FE78] =	vst v63  }
0x6a: {  	s19 =	simm.s32 $0x2300;
	s16 =	simm.s32 $0x100  }
0x6b: {  	[tilespmem:s19], [sflag:$0x4] =	stream.indirect.gather [hbm4b:s6+s21], $0x80, s16, s21, $0xb8;
	[tilespmem:$0x1FE78] =	vst v63  }
0x6c: {  	s15 =	rddreg [dreg:$0x9]  }
0x6d: {  	[tilespmem:s23], [sflag:$0x5] =	stream.linear.gather [hbm4b:s15+s4], $0x2000, $0x38;
	[tilespmem:$0x1FE78] =	vst v63  }
0x6e: {  	s16 =	rddreg [dreg:$0xa]  }
0x6f: {  	[tilespmem:s22], [sflag:$0x2] =	stream.linear.gather [hbm4b:s16+s4], $0x40, $0x38;
	[tilespmem:$0x1FE78] =	vst v63  }
0x70: {  	s28 =	simm.s32 $0x0;
	s19 =	rddreg [dreg:$0xc]  }
0x71: {  	[tilespmem:s11], [sflag:$0x2] =	stream.linear.gather [hbm4b:s19+s4], $0x40, $0x38;
	[tilespmem:$0x1FE78] =	vst v63  }
.LBB2_2:
0x72: {  	_ =	swait.ge [sflag:s12], $0x40  }
0x73: {  	[sflag:s12] =	ssyncset.done $0x0  }
0x74: {  	[sflag:s12] =	ssyncadd.s32 $0xFFFFFFC0  }
0x75: {  	_ =	swait.ge [sflag:s12], $0x40  }
0x76: {  	[sflag:s12] =	ssyncset.done $0x0  }
0x77: {  	[sflag:s12] =	ssyncadd.s32 $0xFFFFFFC0  }
0x78: {  	v2 =	vld [tilespmem:$0x200]  }
0x79: {  	v3 =	vld [tilespmem:$0x180]  }
0x7a: {  	v4 =	vld [tilespmem:$0x210]  }
0x7b: {  	v5 =	vld [tilespmem:$0x190]  }
0x7c: {  	v6 =	vld [tilespmem:$0x220]  }
0x7d: {  	v7 =	vld [tilespmem:$0x1A0];
	v2 =	vadd.s32 v0, v2  }
0x7e: {  	[tilespmem:$0x200] =	vst v2;
	v2 =	vadd.s32 v0, v3;
	v3 =	vld [tilespmem:$0x230]  }
0x7f: {  	[tilespmem:$0x280] =	vst v2;
	v2 =	vadd.s32 v0, v4;
	v4 =	vld [tilespmem:$0x1B0]  }
0x80: {  	[tilespmem:$0x210] =	vst v2;
	v2 =	vadd.s32 v0, v5  }
0x81: {  	[tilespmem:$0x290] =	vst v2;
	v2 =	vadd.s32 v0, v6  }
0x82: {  	[tilespmem:$0x220] =	vst v2;
	v2 =	vadd.s32 v0, v7  }
0x83: {  	[tilespmem:$0x2A0] =	vst v2;
	v2 =	vadd.s32 v0, v3  }
0x84: {  	[tilespmem:$0x230] =	vst v2;
	v2 =	vadd.s32 v0, v4  }
0x85: {  	s10 =	simm.s32 $0x6300;
	[tilespmem:$0x2B0] =	vst v2  }
0x86: {  	[tilespmem:s10], [sflag:$0x6] =	stream.indirect.gather [hbm4b:s5+s21], $0x80, s22, s21, $0xb8;
	[tilespmem:$0x1FE78] =	vst v63  }
0x87: {  	s15 =	simm.s32 $0x280;
	s13 =	simm.s32 $0x8300;
	s16 =	sshll.u32 s28, $0xF  }
0x88: {  	[tilespmem:s13], [sflag:$0x7] =	stream.indirect.gather [hbm4b:s6+s21], $0x80, s15, s21, $0xb8;
	[tilespmem:$0x1FE78] =	vst v63  }
0x89: {  	s19 =	simm.s32 $0x0;
	s10 =	sadd.s32 s26, s16  }
0x8a: {  	[tilespmem:s17], [sflag:$0x8] =	stream.linear.gather [hbm4b:s10+s19], $0x2000, $0x38;
	[tilespmem:$0x1FE78] =	vst v63  }
0x8b: {  	_ =	swait.ge [sflag:s18], $0x2000  }
0x8c: {  	[sflag:s18] =	ssyncset.done $0x0  }
0x8d: {  	[sflag:s18] =	ssyncadd.s32 $0xFFFFE000  }
0x8e: {  	_ =	swait.ge [sflag:s24], $0x2000  }
0x8f: {  	[sflag:s24] =	ssyncset.done $0x0  }
0x90: {  	[sflag:s24] =	ssyncadd.s32 $0xFFFFE000  }
0x91: {  	_ =	swait.ge [sflag:s25], $0x2000  }
0x92: {  	[sflag:s25] =	ssyncset.done $0x0  }
0x93: {  	s19 =	simm.s32 $0x0;
	[sflag:s25] =	ssyncadd.s32 $0xFFFFE000  }
0x94: {  	v14 =	vld [tilespmem:s19+$0x300]  }
0x95: {  	v19 =	vld [tilespmem:s19+$0x2300]  }
0x96: {  	v21 =	vld [tilespmem:s19+$0x310]  }
0x97: {  	v22 =	vld [tilespmem:s19+$0x2310]  }
0x98: {  	v7 =	vld [tilespmem:s19+$0x320]  }
0x99: {  	v11 =	vld [tilespmem:s19+$0x2320]  }
0x9a: {  	v9 =	vld [tilespmem:s19+$0x330]  }
0x9b: {  	v13 =	vld [tilespmem:s19+$0x2330]  }
0x9c: {  	v10 =	vld [tilespmem:s19+$0x340]  }
0x9d: {  	v12 =	vld [tilespmem:s19+$0x2340]  }
0x9e: {  	v6 =	vld [tilespmem:s19+$0x350]  }
0x9f: {  	v8 =	vld [tilespmem:s19+$0x2350]  }
0xa0: {  	v4 =	vld [tilespmem:s19+$0x360]  }
0xa1: {  	v5 =	vld [tilespmem:s19+$0x2360]  }
0xa2: {  	v2 =	vld [tilespmem:s19+$0x370]  }
0xa3: {  	v3 =	vld [tilespmem:s19+$0x2370]  }
0xa4: {  	v18 =	vld [tilespmem:s19+$0x4300]  }
0xa5: {  	v17 =	vld [tilespmem:s19+$0x4310]  }
0xa6: {  	v16 =	vld [tilespmem:s19+$0x4320]  }
0xa7: {  	v15 =	vld [tilespmem:s19+$0x4330];
	v20 =	vadd.f32 v19, v14  }
0xa8: {  	s10 =	simm.s32 $0x200;
	v19 =	vadd.f32 v22, v21;
	v14 =	vld [tilespmem:s19+$0x4340]  }
.LBB2_3:
0xa9: {  	p6 =	sne.s32 s10, $0x7E00;
	v18 =	vadd.f32 v18, v20;
	v7 =	vadd.f32 v11, v7;
	v11 =	vld [tilespmem:s19+$0x4350]  }
0xaa: {  	v9 =	vadd.f32 v13, v9;
	v17 =	vadd.f32 v17, v19;
	v13 =	vld [tilespmem:s19+$0x4360]  }
0xab: {  	s13 =	sshra.s32 s10, $0x2;
	v10 =	vadd.f32 v12, v10;
	v18 =	vmax.f32 v18, $0.0e+00;
	v7 =	vadd.f32 v16, v7;
	v12 =	vld [tilespmem:s19+$0x4370]  }
0xac: {  	v6 =	vadd.f32 v8, v6;
	v19 =	vld [tilespmem:s13+$0x300];
	[tilespmem:s19+$0x4300] =	vst v18;
	v16 =	vmax.f32 v17, $0.0e+00;
	v9 =	vadd.f32 v15, v9  }
0xad: {  	v4 =	vadd.f32 v5, v4;
	v15 =	vld [tilespmem:s13+$0x2300];
	[tilespmem:s19+$0x4310] =	vst v16;
	v7 =	vmax.f32 v7, $0.0e+00;
	v8 =	vadd.f32 v14, v10  }
0xae: {  	v2 =	vadd.f32 v3, v2;
	v14 =	vld [tilespmem:s13+$0x310];
	[tilespmem:s19+$0x4320] =	vst v7;
	v5 =	vmax.f32 v9, $0.0e+00;
	v6 =	vadd.f32 v11, v6  }
0xaf: {  	v21 =	vld [tilespmem:s13+$0x2310];
	[tilespmem:s19+$0x4330] =	vst v5;
	v3 =	vmax.f32 v8, $0.0e+00;
	v4 =	vadd.f32 v13, v4  }
0xb0: {  	v7 =	vld [tilespmem:s13+$0x320];
	[tilespmem:s19+$0x4340] =	vst v3;
	v3 =	vmax.f32 v6, $0.0e+00;
	v2 =	vadd.f32 v12, v2  }
0xb1: {  	v11 =	vld [tilespmem:s13+$0x2320];
	[tilespmem:s19+$0x4350] =	vst v3;
	v3 =	vmax.f32 v4, $0.0e+00  }
0xb2: {  	v9 =	vld [tilespmem:s13+$0x330];
	[tilespmem:s19+$0x4360] =	vst v3;
	v2 =	vmax.f32 v2, $0.0e+00  }
0xb3: {  	v13 =	vld [tilespmem:s13+$0x2330];
	[tilespmem:s19+$0x4370] =	vst v2;
	s19 =	smov.u32 s13  }
0xb4: {  	v10 =	vld [tilespmem:s19+$0x340]  }
0xb5: {  	v12 =	vld [tilespmem:s19+$0x2340]  }
0xb6: {  	v6 =	vld [tilespmem:s19+$0x350]  }
0xb7: {  	v8 =	vld [tilespmem:s19+$0x2350]  }
0xb8: {  	v4 =	vld [tilespmem:s19+$0x360]  }
0xb9: {  	v5 =	vld [tilespmem:s19+$0x2360]  }
0xba: {  	v2 =	vld [tilespmem:s19+$0x370]  }
0xbb: {  	v3 =	vld [tilespmem:s19+$0x2370]  }
.Ltmp2:
0xbc: {  	v18 =	vld [tilespmem:s19+$0x4300];
	(pc) =	sbr.rel @p6 .LBB2_3-.Ltmp2, $4  }
0xbd: {  	v17 =	vld [tilespmem:s19+$0x4310]  }
0xbe: {  	v16 =	vld [tilespmem:s19+$0x4320]  }
0xbf: {  	v20 =	vadd.f32 v15, v19;
	v15 =	vld [tilespmem:s19+$0x4330]  }
0xc0: {  	s10 =	sadd.s32 $0x200, s10;
	v19 =	vadd.f32 v21, v14;
	v14 =	vld [tilespmem:s19+$0x4340]  }
0xc1: {  	v18 =	vadd.f32 v18, v20  }
0xc2: {  	v7 =	vadd.f32 v11, v7;
	v11 =	vld [tilespmem:s19+$0x4350];
	v9 =	vadd.f32 v13, v9  }
0xc3: {  	v10 =	vadd.f32 v12, v10;
	v12 =	vld [tilespmem:s19+$0x4370];
	v17 =	vadd.f32 v17, v19  }
0xc4: {  	v13 =	vld [tilespmem:s19+$0x4360];
	v18 =	vmax.f32 v18, $0.0e+00;
	v7 =	vadd.f32 v16, v7  }
0xc5: {  	v6 =	vadd.f32 v8, v6;
	[tilespmem:s19+$0x4300] =	vst v18;
	v16 =	vmax.f32 v17, $0.0e+00;
	v9 =	vadd.f32 v15, v9  }
0xc6: {  	v2 =	vadd.f32 v3, v2;
	[tilespmem:s19+$0x4310] =	vst v16;
	v7 =	vmax.f32 v7, $0.0e+00;
	v8 =	vadd.f32 v14, v10  }
0xc7: {  	v4 =	vadd.f32 v5, v4;
	[tilespmem:s19+$0x4320] =	vst v7;
	v5 =	vmax.f32 v9, $0.0e+00;
	v6 =	vadd.f32 v11, v6  }
0xc8: {  	v2 =	vadd.f32 v12, v2;
	[tilespmem:s19+$0x4330] =	vst v5;
	v3 =	vmax.f32 v8, $0.0e+00  }
0xc9: {  	v4 =	vadd.f32 v13, v4;
	[tilespmem:s19+$0x4340] =	vst v3;
	v3 =	vmax.f32 v6, $0.0e+00  }
0xca: {  	v2 =	vmax.f32 v2, $0.0e+00;
	[tilespmem:s19+$0x4350] =	vst v3  }
0xcb: {  	v3 =	vmax.f32 v4, $0.0e+00;
	[tilespmem:s19+$0x4370] =	vst v2  }
0xcc: {  	[tilespmem:s19+$0x4360] =	vst v3  }
0xcd: {  	[spmem:s2] =	stream.indirect.scatter.add.f32 [tilespmem:s23], [sflag:$0x9], $0x80, s4, s21, $0xb8;
	[tilespmem:$0x1FE78] =	vst v63  }
0xce: {  	_ =	swait.ge [sflag:s0], $0x2000  }
0xcf: {  	s10 =	simm.s32 @!p1 $0x40;
	[sflag:s0] =	ssyncset.done $0x0  }
0xd0: {  	s13 =	simm.s32 @!p1 $0x0;
	s19 =	simm.s32 @!p1 $0xC300;
	[sflag:s0] =	ssyncadd.s32 $0xFFFFE000  }
0xd1: {  	[spmem:s3] =	stream.indirect.scatter.add.f32 @!p1 [tilespmem:s19], [sflag:$0x9], $0x1, s13, s10, $0xb8;
	[tilespmem:$0x1FE78] =	vst v63  }
0xd2: {  	s10 =	simm.s32 @!p1 $0x9  }
0xd3: {  	s19 =	sshll.u32 s28, $0x5;
	_ =	swait.ge @!p1 [sflag:s10], $0x40  }
0xd4: {  	p6 =	seq.s32 s28, $0x9B;
	s13 =	sadd.s32 s31, s19;
	[sflag:s10] =	ssyncset.done @!p1 $0x0  }
0xd5: {  	[sflag:s10] =	ssyncadd.s32 @!p1 $0xFFFFFFC0;
	s10 =	sshll.u32 @!p6 s13, $0x3  }
0xd6: {  	s15 =	simm.s32 @!p6 $0x0;
	s16 =	simm.s32 @!p6 $0x80;
	s19 =	sadd.s32 @!p6 s8, s10  }
0xd7: {  	[tilespmem:s16], [sflag:$0x1] =	stream.linear.gather @!p6 [hbm4b:s19+s15], $0x40, $0x38;
	[tilespmem:$0x1FE78] =	vst v63  }
0xd8: {  	s10 =	sadd.s32 @!p6 s1, s10  }
0xd9: {  	[tilespmem:s15], [sflag:$0x1] =	stream.linear.gather @!p6 [hbm4b:s10+s15], $0x40, $0x38;
	[tilespmem:$0x1FE78] =	vst v63  }
0xda: {  	s10 =	simm.s32 @!p6 $0x1  }
0xdb: {  	_ =	swait.ge @!p6 [sflag:s10], $0x40  }
0xdc: {  	[sflag:s10] =	ssyncset.done @!p6 $0x0  }
0xdd: {  	[sflag:s10] =	ssyncadd.s32 @!p6 $0xFFFFFFC0  }
0xde: {  	_ =	swait.ge @!p6 [sflag:s10], $0x40  }
0xdf: {  	[sflag:s10] =	ssyncset.done @!p6 $0x0  }
0xe0: {  	[sflag:s10] =	ssyncadd.s32 @!p6 $0xFFFFFFC0  }
0xe1: {  	v2 =	vld @!p6 [tilespmem:$0x80]  }
0xe2: {  	v3 =	vld @!p6 [tilespmem:$0x0]  }
0xe3: {  	v4 =	vld @!p6 [tilespmem:$0x90]  }
0xe4: {  	v5 =	vld @!p6 [tilespmem:$0x10]  }
0xe5: {  	v6 =	vld @!p6 [tilespmem:$0xA0]  }
0xe6: {  	v7 =	vld @!p6 [tilespmem:$0x20];
	v2 =	vadd.s32 @!p6 v0, v2  }
0xe7: {  	[tilespmem:$0x80] =	vst @!p6 v2;
	v2 =	vadd.s32 @!p6 v0, v3;
	v3 =	vld @!p6 [tilespmem:$0xB0]  }
0xe8: {  	[tilespmem:$0x100] =	vst @!p6 v2;
	v2 =	vadd.s32 @!p6 v0, v4;
	v4 =	vld @!p6 [tilespmem:$0x30]  }
0xe9: {  	[tilespmem:$0x90] =	vst @!p6 v2;
	v2 =	vadd.s32 @!p6 v0, v5  }
0xea: {  	[tilespmem:$0x110] =	vst @!p6 v2;
	v2 =	vadd.s32 @!p6 v0, v6  }
0xeb: {  	[tilespmem:$0xA0] =	vst @!p6 v2;
	v2 =	vadd.s32 @!p6 v0, v7  }
0xec: {  	[tilespmem:$0x120] =	vst @!p6 v2;
	v2 =	vadd.s32 @!p6 v0, v3  }
0xed: {  	[tilespmem:$0xB0] =	vst @!p6 v2;
	v2 =	vadd.s32 @!p6 v0, v4  }
0xee: {  	s19 =	simm.s32 @!p6 $0x300;
	s10 =	simm.s32 @!p6 $0x40;
	[tilespmem:$0x130] =	vst @!p6 v2  }
0xef: {  	[tilespmem:s19], [sflag:$0x3] =	stream.indirect.gather @!p6 [hbm4b:s5+s10], $0x80, s16, s10, $0xb8;
	[tilespmem:$0x1FE78] =	vst v63  }
0xf0: {  	s16 =	simm.s32 @!p6 $0x100;
	s19 =	simm.s32 @!p6 $0x2300  }
0xf1: {  	[tilespmem:s19], [sflag:$0x4] =	stream.indirect.gather @!p6 [hbm4b:s6+s10], $0x80, s16, s10, $0xb8;
	[tilespmem:$0x1FE78] =	vst v63  }
0xf2: {  	s10 =	sshll.u32 @!p6 s13, $0xD  }
0xf3: {  	s10 =	sadd.s32 @!p6 s20, s10  }
0xf4: {  	s10 =	sshrl.u32 @!p6 s10, $0x3  }
0xf5: {  	s13 =	simm.s32 @!p6 $0x4300;
	s10 =	sadd.s32 @!p6 s7, s10  }
0xf6: {  	[tilespmem:s13], [sflag:$0x5] =	stream.linear.gather @!p6 [hbm4b:s10+s15], $0x2000, $0x38;
	[tilespmem:$0x1FE78] =	vst v63  }
0xf7: {  	_ =	swait.ge [sflag:s29], $0x2000  }
0xf8: {  	[sflag:s29] =	ssyncset.done $0x0  }
0xf9: {  	[sflag:s29] =	ssyncadd.s32 $0xFFFFE000  }
0xfa: {  	_ =	swait.ge [sflag:s30], $0x2000  }
0xfb: {  	[sflag:s30] =	ssyncset.done $0x0  }
0xfc: {  	[sflag:s30] =	ssyncadd.s32 $0xFFFFE000  }
0xfd: {  	_ =	swait.ge [sflag:s9], $0x2000  }
0xfe: {  	[sflag:s9] =	ssyncset.done $0x0  }
0xff: {  	s19 =	simm.s32 $0x0;
	[sflag:s9] =	ssyncadd.s32 $0xFFFFE000  }
0x100: {  	v14 =	vld [tilespmem:s19+$0x6300]  }
0x101: {  	v19 =	vld [tilespmem:s19+$0x8300]  }
0x102: {  	v21 =	vld [tilespmem:s19+$0x6310]  }
0x103: {  	v22 =	vld [tilespmem:s19+$0x8310]  }
0x104: {  	v7 =	vld [tilespmem:s19+$0x6320]  }
0x105: {  	v11 =	vld [tilespmem:s19+$0x8320]  }
0x106: {  	v9 =	vld [tilespmem:s19+$0x6330]  }
0x107: {  	v13 =	vld [tilespmem:s19+$0x8330]  }
0x108: {  	v10 =	vld [tilespmem:s19+$0x6340]  }
0x109: {  	v12 =	vld [tilespmem:s19+$0x8340]  }
0x10a: {  	v6 =	vld [tilespmem:s19+$0x6350]  }
0x10b: {  	v8 =	vld [tilespmem:s19+$0x8350]  }
0x10c: {  	v4 =	vld [tilespmem:s19+$0x6360]  }
0x10d: {  	v5 =	vld [tilespmem:s19+$0x8360]  }
0x10e: {  	v2 =	vld [tilespmem:s19+$0x6370]  }
0x10f: {  	v3 =	vld [tilespmem:s19+$0x8370]  }
0x110: {  	v18 =	vld [tilespmem:s19+$0xA300]  }
0x111: {  	v17 =	vld [tilespmem:s19+$0xA310]  }
0x112: {  	s10 =	sshll.u32 s28, $0x8;
	v16 =	vld [tilespmem:s19+$0xA320]  }
0x113: {  	s10 =	sadd.s32 @!p6 $0x180, s10;
	v15 =	vld [tilespmem:s19+$0xA330];
	v20 =	vadd.f32 v19, v14  }
0x114: {  	s13 =	simm.s32 $0x200;
	s10 =	simm.s32 @p6 $0x9C80;
	v19 =	vadd.f32 v22, v21;
	v14 =	vld [tilespmem:s19+$0xA340]  }
.LBB2_5:
0x115: {  	p4 =	sne.s32 s13, $0x7E00;
	v18 =	vadd.f32 v18, v20;
	v7 =	vadd.f32 v11, v7;
	v11 =	vld [tilespmem:s19+$0xA350]  }
0x116: {  	v9 =	vadd.f32 v13, v9;
	v17 =	vadd.f32 v17, v19;
	v13 =	vld [tilespmem:s19+$0xA360]  }
0x117: {  	s15 =	sshra.s32 s13, $0x2;
	v10 =	vadd.f32 v12, v10;
	v18 =	vmax.f32 v18, $0.0e+00;
	v7 =	vadd.f32 v16, v7;
	v12 =	vld [tilespmem:s19+$0xA370]  }
0x118: {  	v6 =	vadd.f32 v8, v6;
	v19 =	vld [tilespmem:s15+$0x6300];
	[tilespmem:s19+$0xA300] =	vst v18;
	v16 =	vmax.f32 v17, $0.0e+00;
	v9 =	vadd.f32 v15, v9  }
0x119: {  	v4 =	vadd.f32 v5, v4;
	v15 =	vld [tilespmem:s15+$0x8300];
	[tilespmem:s19+$0xA310] =	vst v16;
	v7 =	vmax.f32 v7, $0.0e+00;
	v8 =	vadd.f32 v14, v10  }
0x11a: {  	v2 =	vadd.f32 v3, v2;
	v14 =	vld [tilespmem:s15+$0x6310];
	[tilespmem:s19+$0xA320] =	vst v7;
	v5 =	vmax.f32 v9, $0.0e+00;
	v6 =	vadd.f32 v11, v6  }
0x11b: {  	v21 =	vld [tilespmem:s15+$0x8310];
	[tilespmem:s19+$0xA330] =	vst v5;
	v3 =	vmax.f32 v8, $0.0e+00;
	v4 =	vadd.f32 v13, v4  }
0x11c: {  	v7 =	vld [tilespmem:s15+$0x6320];
	[tilespmem:s19+$0xA340] =	vst v3;
	v3 =	vmax.f32 v6, $0.0e+00;
	v2 =	vadd.f32 v12, v2  }
0x11d: {  	v11 =	vld [tilespmem:s15+$0x8320];
	[tilespmem:s19+$0xA350] =	vst v3;
	v3 =	vmax.f32 v4, $0.0e+00  }
0x11e: {  	v9 =	vld [tilespmem:s15+$0x6330];
	[tilespmem:s19+$0xA360] =	vst v3;
	v2 =	vmax.f32 v2, $0.0e+00  }
0x11f: {  	v13 =	vld [tilespmem:s15+$0x8330];
	[tilespmem:s19+$0xA370] =	vst v2;
	s19 =	smov.u32 s15  }
0x120: {  	v10 =	vld [tilespmem:s19+$0x6340]  }
0x121: {  	v12 =	vld [tilespmem:s19+$0x8340]  }
0x122: {  	v6 =	vld [tilespmem:s19+$0x6350]  }
0x123: {  	v8 =	vld [tilespmem:s19+$0x8350]  }
0x124: {  	v4 =	vld [tilespmem:s19+$0x6360]  }
0x125: {  	v5 =	vld [tilespmem:s19+$0x8360]  }
0x126: {  	v2 =	vld [tilespmem:s19+$0x6370]  }
0x127: {  	v3 =	vld [tilespmem:s19+$0x8370]  }
.Ltmp3:
0x128: {  	v18 =	vld [tilespmem:s19+$0xA300];
	(pc) =	sbr.rel @p4 .LBB2_5-.Ltmp3, $4  }
0x129: {  	v17 =	vld [tilespmem:s19+$0xA310]  }
0x12a: {  	v16 =	vld [tilespmem:s19+$0xA320]  }
0x12b: {  	v20 =	vadd.f32 v15, v19;
	v15 =	vld [tilespmem:s19+$0xA330]  }
0x12c: {  	s13 =	sadd.s32 $0x200, s13;
	v19 =	vadd.f32 v21, v14;
	v14 =	vld [tilespmem:s19+$0xA340]  }
0x12d: {  	v18 =	vadd.f32 v18, v20;
	v7 =	vadd.f32 v11, v7;
	v58 =	vld [tilespmem:s19+$0xA350]  }
0x12e: {  	v9 =	vadd.f32 v13, v9;
	v60 =	vld [tilespmem:s19+$0xA370];
	v17 =	vadd.f32 v17, v19  }
0x12f: {  	v59 =	vld [tilespmem:s19+$0xA360];
	v10 =	vadd.f32 v12, v10;
	v18 =	vmax.f32 v18, $0.0e+00;
	v7 =	vadd.f32 v16, v7  }
0x130: {  	v6 =	vadd.f32 v8, v6;
	[tilespmem:s19+$0xA300] =	vst v18;
	v61 =	vmax.f32 v17, $0.0e+00;
	v9 =	vadd.f32 v15, v9  }
0x131: {  	v2 =	vadd.f32 v3, v2;
	[tilespmem:s19+$0xA310] =	vst v61;
	v7 =	vmax.f32 v7, $0.0e+00;
	v62 =	vadd.f32 v14, v10  }
0x132: {  	v4 =	vadd.f32 v5, v4;
	[tilespmem:s19+$0xA320] =	vst v7;
	v63 =	vmax.f32 v9, $0.0e+00;
	v6 =	vadd.f32 v58, v6  }
0x133: {  	v2 =	vadd.f32 v60, v2;
	[tilespmem:s19+$0xA330] =	vst v63;
	v3 =	vmax.f32 v62, $0.0e+00  }
0x134: {  	v4 =	vadd.f32 v59, v4;
	[tilespmem:s19+$0xA340] =	vst v3;
	v3 =	vmax.f32 v6, $0.0e+00  }
0x135: {  	v2 =	vmax.f32 v2, $0.0e+00;
	[tilespmem:s19+$0xA350] =	vst v3  }
0x136: {  	v3 =	vmax.f32 v4, $0.0e+00;
	[tilespmem:s19+$0xA370] =	vst v2  }
0x137: {  	[tilespmem:s19+$0xA360] =	vst v3  }
0x138: {  	[spmem:s2] =	stream.indirect.scatter.add.f32 [tilespmem:s17], [sflag:$0x9], $0x80, s11, s21, $0xb8;
	[tilespmem:$0x1FE78] =	vst v63  }
0x139: {  	_ =	swait.ge [sflag:s0], $0x2000  }
0x13a: {  	s13 =	simm.s32 @!p1 $0x40;
	[sflag:s0] =	ssyncset.done $0x0  }
0x13b: {  	s15 =	simm.s32 @!p1 $0x180;
	s16 =	simm.s32 @!p1 $0xC300;
	[sflag:s0] =	ssyncadd.s32 $0xFFFFE000  }
0x13c: {  	[spmem:s3] =	stream.indirect.scatter.add.f32 @!p1 [tilespmem:s16], [sflag:$0x9], $0x1, s15, s13, $0xb8;
	[tilespmem:$0x1FE78] =	vst v63  }
.Ltmp4:
0x13d: {  	_ = 	snop;
	(pc) =	sbr.rel @p6 .LBB2_8-.Ltmp4, $4  }
0x13e: {  	s13 =	simm.s32 @!p1 $0x9  }
0x13f: {  	_ =	swait.ge @!p1 [sflag:s13], $0x40  }
0x140: {  	[sflag:s13] =	ssyncset.done @!p1 $0x0  }
0x141: {  	[sflag:s13] =	ssyncadd.s32 @!p1 $0xFFFFFFC0  }
.Ltmp5:
0x142: {  	s10 =	sor.u32 s14, s10;
	(pc) =	sbr.rel .LBB2_2-.Ltmp5, $4  }
0x143: {  	s13 =	sadd.s32 s8, s10  }
0x144: {  	[tilespmem:s22], [sflag:$0x2] =	stream.linear.gather [hbm4b:s13+s4], $0x40, $0x38;
	[tilespmem:$0x1FE78] =	vst v63  }
0x145: {  	s28 =	sadd.s32 $0x1, s28;
	s10 =	sadd.s32 s1, s10  }
0x146: {  	[tilespmem:s11], [sflag:$0x2] =	stream.linear.gather [hbm4b:s10+s4], $0x40, $0x38;
	[tilespmem:$0x1FE78] =	vst v63  }
.LBB2_8:
0x147: {  	s10 =	sld [smem:$0x7FD];
	_ =	sdelay $0x2  }
0x148: {  	p4 =	seq.s32 s10, $0x1  }
.Ltmp6:
0x149: {  	_ = 	snop;
	(pc) =	sbr.rel @p4 .LBB2_12-.Ltmp6, $4  }
0x14a: {  	_ = 	snop  }
0x14b: {  	s16 =	rddreg [dreg:$0xd]  }
0x14c: {  	s28 =	rddreg [dreg:$0x13]  }
0x14d: {  	s15 =	rddreg [dreg:$0x16]  }
0x14e: {  	s10 =	simm.s32 $0x0;
	s13 =	rddreg [dreg:$0xe];
	s15 =	simm.s32 $0x80  }
0x14f: {  	[tilespmem:s15], [sflag:$0x9] =	stream.linear.gather [hbm4b:s13+s10], $0x40, $0x38;
	[tilespmem:$0x1FE78] =	vst v63  }
0x150: {  	_ =	swait.ge [sflag:s0], $0x40  }
0x151: {  	[sflag:s0] =	ssyncset.done $0x0  }
0x152: {  	s19 =	rddreg [dreg:$0xf];
	[sflag:s0] =	ssyncadd.s32 $0xFFFFFFC0  }
0x153: {  	[tilespmem:s10], [sflag:$0x9] =	stream.linear.gather [hbm4b:s19+s10], $0x40, $0x38;
	[tilespmem:$0x1FE78] =	vst v63  }
0x154: {  	_ =	swait.ge [sflag:s0], $0x40  }
0x155: {  	[sflag:s0] =	ssyncset.done $0x0  }
0x156: {  	[sflag:s0] =	ssyncadd.s32 $0xFFFFFFC0  }
0x157: {  	v2 =	vld [tilespmem:$0x80]  }
0x158: {  	v3 =	vld [tilespmem:$0x0]  }
0x159: {  	v4 =	vld [tilespmem:$0x90]  }
0x15a: {  	v5 =	vld [tilespmem:$0x10]  }
0x15b: {  	v6 =	vld [tilespmem:$0xA0]  }
0x15c: {  	v7 =	vld [tilespmem:$0x20];
	v2 =	vadd.s32 v0, v2  }
0x15d: {  	[tilespmem:$0x80] =	vst v2;
	v2 =	vadd.s32 v0, v3;
	v3 =	vld [tilespmem:$0xB0]  }
0x15e: {  	[tilespmem:$0x100] =	vst v2;
	v2 =	vadd.s32 v0, v4;
	v4 =	vld [tilespmem:$0x30]  }
0x15f: {  	[tilespmem:$0x90] =	vst v2;
	v2 =	vadd.s32 v0, v5  }
0x160: {  	[tilespmem:$0x110] =	vst v2;
	v2 =	vadd.s32 v0, v6  }
0x161: {  	[tilespmem:$0xA0] =	vst v2;
	v2 =	vadd.s32 v0, v7  }
0x162: {  	[tilespmem:$0x120] =	vst v2;
	v2 =	vadd.s32 v0, v3  }
0x163: {  	[tilespmem:$0xB0] =	vst v2;
	v2 =	vadd.s32 v0, v4  }
0x164: {  	s19 =	simm.s32 $0x300;
	[tilespmem:$0x130] =	vst v2  }
0x165: {  	[tilespmem:s19], [sflag:$0x3] =	stream.indirect.gather [hbm4b:s5+s21], $0x80, s15, s21, $0xb8;
	[tilespmem:$0x1FE78] =	vst v63  }
0x166: {  	s15 =	simm.s32 $0x100;
	s19 =	simm.s32 $0x2300  }
0x167: {  	[tilespmem:s19], [sflag:$0x4] =	stream.indirect.gather [hbm4b:s6+s21], $0x80, s15, s21, $0xb8;
	[tilespmem:$0x1FE78] =	vst v63  }
0x168: {  	s19 =	rddreg [dreg:$0x10]  }
0x169: {  	[tilespmem:s23], [sflag:$0x5] =	stream.linear.gather [hbm4b:s19+s10], $0x2000, $0x38;
	[tilespmem:$0x1FE78] =	vst v63  }
0x16a: {  	_ =	swait.ge [sflag:s18], $0x2000  }
0x16b: {  	[sflag:s18] =	ssyncset.done $0x0  }
0x16c: {  	[sflag:s18] =	ssyncadd.s32 $0xFFFFE000  }
0x16d: {  	_ =	swait.ge [sflag:s24], $0x2000  }
0x16e: {  	[sflag:s24] =	ssyncset.done $0x0  }
0x16f: {  	[sflag:s24] =	ssyncadd.s32 $0xFFFFE000  }
0x170: {  	_ =	swait.ge [sflag:s25], $0x2000  }
0x171: {  	[sflag:s25] =	ssyncset.done $0x0  }
0x172: {  	s19 =	simm.s32 $0x0;
	[sflag:s25] =	ssyncadd.s32 $0xFFFFE000  }
0x173: {  	v14 =	vld [tilespmem:s19+$0x300]  }
0x174: {  	v19 =	vld [tilespmem:s19+$0x2300]  }
0x175: {  	v21 =	vld [tilespmem:s19+$0x310]  }
0x176: {  	v22 =	vld [tilespmem:s19+$0x2310]  }
0x177: {  	v7 =	vld [tilespmem:s19+$0x320]  }
0x178: {  	v11 =	vld [tilespmem:s19+$0x2320]  }
0x179: {  	v9 =	vld [tilespmem:s19+$0x330]  }
0x17a: {  	v13 =	vld [tilespmem:s19+$0x2330]  }
0x17b: {  	v10 =	vld [tilespmem:s19+$0x340]  }
0x17c: {  	v12 =	vld [tilespmem:s19+$0x2340]  }
0x17d: {  	v6 =	vld [tilespmem:s19+$0x350]  }
0x17e: {  	v8 =	vld [tilespmem:s19+$0x2350]  }
0x17f: {  	v4 =	vld [tilespmem:s19+$0x360]  }
0x180: {  	v5 =	vld [tilespmem:s19+$0x2360]  }
0x181: {  	v2 =	vld [tilespmem:s19+$0x370]  }
0x182: {  	v3 =	vld [tilespmem:s19+$0x2370]  }
0x183: {  	v18 =	vld [tilespmem:s19+$0x4300]  }
0x184: {  	v17 =	vld [tilespmem:s19+$0x4310]  }
0x185: {  	v16 =	vld [tilespmem:s19+$0x4320]  }
0x186: {  	v15 =	vld [tilespmem:s19+$0x4330];
	v20 =	vadd.f32 v19, v14  }
0x187: {  	s10 =	simm.s32 $0x200;
	v19 =	vadd.f32 v22, v21;
	v14 =	vld [tilespmem:s19+$0x4340]  }
.LBB2_10:
0x188: {  	p4 =	sne.s32 s10, $0x7E00;
	v18 =	vadd.f32 v18, v20;
	v7 =	vadd.f32 v11, v7;
	v11 =	vld [tilespmem:s19+$0x4350]  }
0x189: {  	v9 =	vadd.f32 v13, v9;
	v17 =	vadd.f32 v17, v19;
	v13 =	vld [tilespmem:s19+$0x4360]  }
0x18a: {  	s13 =	sshra.s32 s10, $0x2;
	v10 =	vadd.f32 v12, v10;
	v18 =	vmax.f32 v18, $0.0e+00;
	v7 =	vadd.f32 v16, v7;
	v12 =	vld [tilespmem:s19+$0x4370]  }
0x18b: {  	v6 =	vadd.f32 v8, v6;
	v19 =	vld [tilespmem:s13+$0x300];
	[tilespmem:s19+$0x4300] =	vst v18;
	v16 =	vmax.f32 v17, $0.0e+00;
	v9 =	vadd.f32 v15, v9  }
0x18c: {  	v4 =	vadd.f32 v5, v4;
	v15 =	vld [tilespmem:s13+$0x2300];
	[tilespmem:s19+$0x4310] =	vst v16;
	v7 =	vmax.f32 v7, $0.0e+00;
	v8 =	vadd.f32 v14, v10  }
0x18d: {  	v2 =	vadd.f32 v3, v2;
	v14 =	vld [tilespmem:s13+$0x310];
	[tilespmem:s19+$0x4320] =	vst v7;
	v5 =	vmax.f32 v9, $0.0e+00;
	v6 =	vadd.f32 v11, v6  }
0x18e: {  	v21 =	vld [tilespmem:s13+$0x2310];
	[tilespmem:s19+$0x4330] =	vst v5;
	v3 =	vmax.f32 v8, $0.0e+00;
	v4 =	vadd.f32 v13, v4  }
0x18f: {  	v7 =	vld [tilespmem:s13+$0x320];
	[tilespmem:s19+$0x4340] =	vst v3;
	v3 =	vmax.f32 v6, $0.0e+00;
	v2 =	vadd.f32 v12, v2  }
0x190: {  	v11 =	vld [tilespmem:s13+$0x2320];
	[tilespmem:s19+$0x4350] =	vst v3;
	v3 =	vmax.f32 v4, $0.0e+00  }
0x191: {  	v9 =	vld [tilespmem:s13+$0x330];
	[tilespmem:s19+$0x4360] =	vst v3;
	v2 =	vmax.f32 v2, $0.0e+00  }
0x192: {  	v13 =	vld [tilespmem:s13+$0x2330];
	[tilespmem:s19+$0x4370] =	vst v2;
	s19 =	smov.u32 s13  }
0x193: {  	v10 =	vld [tilespmem:s19+$0x340]  }
0x194: {  	v12 =	vld [tilespmem:s19+$0x2340]  }
0x195: {  	v6 =	vld [tilespmem:s19+$0x350]  }
0x196: {  	v8 =	vld [tilespmem:s19+$0x2350]  }
0x197: {  	v4 =	vld [tilespmem:s19+$0x360]  }
0x198: {  	v5 =	vld [tilespmem:s19+$0x2360]  }
0x199: {  	v2 =	vld [tilespmem:s19+$0x370]  }
0x19a: {  	v3 =	vld [tilespmem:s19+$0x2370]  }
.Ltmp7:
0x19b: {  	v18 =	vld [tilespmem:s19+$0x4300];
	(pc) =	sbr.rel @p4 .LBB2_10-.Ltmp7, $4  }
0x19c: {  	v17 =	vld [tilespmem:s19+$0x4310]  }
0x19d: {  	v16 =	vld [tilespmem:s19+$0x4320]  }
0x19e: {  	v20 =	vadd.f32 v15, v19;
	v15 =	vld [tilespmem:s19+$0x4330]  }
0x19f: {  	s10 =	sadd.s32 $0x200, s10;
	v19 =	vadd.f32 v21, v14;
	v14 =	vld [tilespmem:s19+$0x4340]  }
0x1a0: {  	v18 =	vadd.f32 v18, v20;
	v7 =	vadd.f32 v11, v7;
	v58 =	vld [tilespmem:s19+$0x4350]  }
0x1a1: {  	v9 =	vadd.f32 v13, v9;
	v60 =	vld [tilespmem:s19+$0x4370];
	v17 =	vadd.f32 v17, v19  }
0x1a2: {  	v59 =	vld [tilespmem:s19+$0x4360];
	v10 =	vadd.f32 v12, v10;
	v18 =	vmax.f32 v18, $0.0e+00;
	v7 =	vadd.f32 v16, v7  }
0x1a3: {  	v6 =	vadd.f32 v8, v6;
	[tilespmem:s19+$0x4300] =	vst v18;
	v61 =	vmax.f32 v17, $0.0e+00;
	v9 =	vadd.f32 v15, v9  }
0x1a4: {  	v2 =	vadd.f32 v3, v2;
	[tilespmem:s19+$0x4310] =	vst v61;
	v7 =	vmax.f32 v7, $0.0e+00;
	v62 =	vadd.f32 v14, v10  }
0x1a5: {  	v4 =	vadd.f32 v5, v4;
	[tilespmem:s19+$0x4320] =	vst v7;
	v63 =	vmax.f32 v9, $0.0e+00;
	v6 =	vadd.f32 v58, v6  }
0x1a6: {  	v2 =	vadd.f32 v60, v2;
	[tilespmem:s19+$0x4330] =	vst v63;
	v3 =	vmax.f32 v62, $0.0e+00  }
0x1a7: {  	v4 =	vadd.f32 v59, v4;
	[tilespmem:s19+$0x4340] =	vst v3;
	v3 =	vmax.f32 v6, $0.0e+00  }
0x1a8: {  	v2 =	vmax.f32 v2, $0.0e+00;
	[tilespmem:s19+$0x4350] =	vst v3  }
0x1a9: {  	v3 =	vmax.f32 v4, $0.0e+00;
	[tilespmem:s19+$0x4370] =	vst v2  }
0x1aa: {  	[tilespmem:s19+$0x4360] =	vst v3  }
0x1ab: {  	[spmem:s2] =	stream.indirect.scatter.add.f32 [tilespmem:s23], [sflag:$0x9], $0x80, s4, s21, $0xb8;
	[tilespmem:$0x1FE78] =	vst v63  }
0x1ac: {  	_ =	swait.ge [sflag:s0], $0x2000  }
0x1ad: {  	s10 =	simm.s32 @!p1 $0x40;
	[sflag:s0] =	ssyncset.done $0x0  }
0x1ae: {  	s13 =	simm.s32 @!p1 $0x0;
	s15 =	simm.s32 @!p1 $0xC300;
	[sflag:s0] =	ssyncadd.s32 $0xFFFFE000  }
0x1af: {  	[spmem:s3] =	stream.indirect.scatter.add.f32 @!p1 [tilespmem:s15], [sflag:$0x9], $0x1, s13, s10, $0xb8;
	[tilespmem:$0x1FE78] =	vst v63  }
.Ltmp8:
0x1b0: {  	_ = 	snop;
	(pc) =	sbr.rel .LBB2_12-.Ltmp8, $4  }
0x1b1: {  	s10 =	simm.s32 @!p1 $0x9  }
0x1b2: {  	_ =	swait.ge @!p1 [sflag:s10], $0x40  }
0x1b3: {  	[sflag:s10] =	ssyncset.done @!p1 $0x0  }
0x1b4: {  	s15 =	rddreg [dreg:$0x16];
	[sflag:s10] =	ssyncadd.s32 @!p1 $0xFFFFFFC0  }
.LBB2_13:
0x1b5: {  	_ =	sfence.sel $0x180000  }
0x1b6: {  	[bflag:$0x0] =	sbarrier.arrive $0xFFFF  }
0x1b7: {  	_ =	strace $0x90000047  }
0x1b8: {  	s0 =	stileid.u32;
	[bflag:$0x2] =	sbarrier.arrive $0xFFFF  }
0x1b9: {  	p0 =	sne.s32 s0, $0x0;
	s0 =	rddreg [dreg:$0x4]  }
0x1ba: {  	s0 =	sadd.s32 @!p0 $0x100000, s0  }
0x1bb: {  	[sflag:s0] =	ssyncadd.tile.s32 @!p0 $0x1;
	_ =	shalt  }
.Lfunc_end2:
_tile_overlayer_lowered:
.L_overlay_start_2:
0x1bc: {  	(tag) =	ssettag $0x2  }
0x1bd: {  	s0 =	rddreg [dreg:$0x0];
	s2 =	stileid.u32  }
0x1be: {  	s1 =	rddreg [dreg:$0x1];
	p0 =	sne.s32 s2, $0x0  }
0x1bf: {  	s3 =	rddreg [dreg:$0x2];
	[bflag:$0x3] =	sbarrier.arrive $0xFFFF;
	s2 =	simm.s32 @!p0 $0x1C09  }
0x1c0: {  	[timem:s3], [sflag:s2] =	dma.local @!p0 [hbm:s0], s1  }
0x1c1: {  	s0 =	simm.s32 @!p0 $0x9  }
0x1c2: {  	_ =	swait.ge @!p0 [sflag:s0], s1  }
0x1c3: {  	s1 =	ssub.s32 @!p0 $0x0, s1;
	[sflag:s0] =	ssyncset.done @!p0 $0x0  }
0x1c4: {  	[sflag:s0] =	ssyncadd.s32 @!p0 s1  }
0x1c5: {  	[bflag:$0x3] =	sbarrier.arrive $0xFFFF  }
0x1c6: {  	_ =	shalt  }

</sc_bundles>
